<compile_context>
chip_gen: v7x
topology: tpu7x:2x2x1
jax: 0.10.2.dev20260603
libtpu: 0.0.44.dev20260713+nightly
codegen_flags: <defaults>
</compile_context>

<pallas_src>
import functools

import jax
import jax.numpy as jnp
from jax import lax
from jax.experimental import pallas as pl
from jax.experimental.pallas import tpu as pltpu
from jax.experimental.pallas import tpu_sc as plsc

_NC = 2
_NS = 16
_NW = _NC * _NS
_LANES = 16


def _make_gather_mean_t(vocab, embed, batch, ctx):
  dpw = embed // _NW
  ngrp = batch // _LANES
  mesh = plsc.VectorSubcoreMesh(core_axis_name="c", subcore_axis_name="s")

  @functools.partial(
      pl.kernel,
      mesh=mesh,
      out_type=jax.ShapeDtypeStruct((embed, batch), jnp.float32),
      scratch_types=[
          pltpu.VMEM((vocab,), jnp.float32),
          pltpu.VMEM((ctx, batch), jnp.int32),
          pltpu.VMEM((dpw, batch), jnp.float32),
          pltpu.SemaphoreType.DMA,
      ],
      compiler_params=pltpu.CompilerParams(needs_layout_passes=False),
  )
  def gather_mean_t(idxT_hbm, et_hbm, avgT_hbm, row_v, idx_v, acc_v, sem):
    wid = lax.axis_index("s") * _NC + lax.axis_index("c")
    pltpu.sync_copy(idxT_hbm, idx_v)
    scale = 1.0 / ctx
    for k in range(dpw):
      d = wid * dpw + k
      pltpu.async_copy(et_hbm.at[d], row_v, sem).wait()

      def grp_body(g, carry, k=k):
        base = g * _LANES
        acc = plsc.load_gather(row_v, [idx_v[0, pl.ds(base, _LANES)]])
        for t in range(1, ctx):
          acc = acc + plsc.load_gather(row_v, [idx_v[t, pl.ds(base, _LANES)]])
        acc_v[k, pl.ds(base, _LANES)] = acc * scale
        return carry

      lax.fori_loop(0, ngrp, grp_body, 0)
    pltpu.sync_copy(acc_v, avgT_hbm.at[pl.ds(wid * dpw, dpw)])

  return gather_mean_t


_NBUF = 2
_CHUNK = 512


def _make_project(batch, embed, vocab, tile_n):
  nt = pl.cdiv(vocab, tile_n)
  nchunk = tile_n // _CHUNK
  tail_rows = vocab - (nt - 1) * tile_n
  tail_chunks = []
  off = 0
  while tail_rows - off >= _CHUNK:
    tail_chunks.append((off, _CHUNK))
    off += _CHUNK
  if tail_rows - off:
    assert (tail_rows - off) % 8 == 0
    tail_chunks.append((off, tail_rows - off))

  def body(avg_ref, wt_ref, b_ref, out_hbm, bufs, sems):
    i = pl.program_id(0)
    slot = lax.rem(i, _NBUF)

    def full_copies(j, sl):
      base = j * tile_n
      return [
          pltpu.make_async_copy(
              bufs.at[sl, pl.ds(c * _CHUNK, _CHUNK), :],
              out_hbm.at[pl.ds(base + c * _CHUNK, _CHUNK), :],
              sems.at[sl, c],
          ) for c in range(nchunk)
      ]

    def tail_copies(sl):
      base = (nt - 1) * tile_n
      return [
          pltpu.make_async_copy(
              bufs.at[sl, pl.ds(off, w), :],
              out_hbm.at[pl.ds(base + off, w), :],
              sems.at[sl, c],
          ) for c, (off, w) in enumerate(tail_chunks)
      ]

    @pl.when(i >= _NBUF)
    def _drain_prev():
      for c in full_copies(i - _NBUF, slot):
        c.wait()

    bufs[slot] = lax.dot_general(
        wt_ref[...], avg_ref[...],
        (((0,), (0,)), ((), ())),
        preferred_element_type=jnp.float32,
    ) + b_ref[...].reshape(tile_n, 1)

    @pl.when(i < nt - 1)
    def _fire_full():
      for c in full_copies(i, slot):
        c.start()

    @pl.when(i == nt - 1)
    def _last_step():
      for c in tail_copies(slot):
        c.start()
      for j in range(max(nt - _NBUF, 0), nt - 1):
        for c in full_copies(j, j % _NBUF):
          c.wait()
      for c in tail_copies(slot):
        c.wait()

  return pl.pallas_call(
      body,
      grid=(nt,),
      in_specs=[
          pl.BlockSpec((embed, batch), lambda i: (0, 0)),
          pl.BlockSpec((embed, tile_n), lambda i: (0, i)),
          pl.BlockSpec((tile_n,), lambda i: (i,)),
      ],
      out_specs=pl.BlockSpec(memory_space=pl.ANY),
      out_shape=jax.ShapeDtypeStruct((vocab, batch), jnp.float32),
      scratch_shapes=[
          pltpu.VMEM((_NBUF, tile_n, batch), jnp.float32),
          pltpu.SemaphoreType.DMA((_NBUF, max(nchunk, len(tail_chunks)))),
      ],
  )


def _project(avg_t, lin_w, lin_b, tile_n):
  embed, batch = avg_t.shape
  vocab = lin_w.shape[0]
  out_t = _make_project(batch, embed, vocab, tile_n)(avg_t, lin_w.T, lin_b)
  return out_t.T


_TILE_N = 3072


def kernel(inputs, emb_table, lin_w, lin_b):
  batch, ctx = inputs.shape
  vocab, embed = emb_table.shape
  idx_t = inputs.T.astype(jnp.int32)
  et = emb_table.T
  avg_t = _make_gather_mean_t(vocab, embed, batch, ctx)(idx_t, et)
  return _project(avg_t, lin_w, lin_b, tile_n=_TILE_N)

# --- scband reference (transcript-rebuilt; emitter-appended) ---
"""Pipeline reference for scband-cbowmodel-1194000908950 (READ-ONLY COPY).

The authoritative reference and input builder live on the scoring server;
editing this copy changes nothing except your own understanding.
"""

import jax, jax.numpy as jnp
import numpy as np

VOCAB = 100000
EMBED = 64
B = 1024
CTX = 20

def setup_inputs(seed: int = 0) -> dict:
    key = jax.random.key(seed)
    k1, k2, k3, k4 = jax.random.split(key, 4)
    inputs = jax.random.randint(k1, (B, CTX), 0, VOCAB, dtype=jnp.int64)
    emb_table = jax.random.normal(k2, (VOCAB, EMBED), dtype=jnp.float32) * 0.02
    lin_w = jax.random.normal(k3, (VOCAB, EMBED), dtype=jnp.float32) * 0.02  # torch Linear weight [out, in]
    lin_b = jax.random.normal(k4, (VOCAB,), dtype=jnp.float32) * 0.02
    return {"inputs": inputs, "emb_table": emb_table, "lin_w": lin_w, "lin_b": lin_b}

def reference(inputs, emb_table, lin_w, lin_b):
    # embeds = self.embeddings(inputs)  -> gather
    embeds = jnp.take(emb_table, inputs, axis=0)  # [B, CTX, EMBED]
    # avg_embeds = torch.mean(embeds, dim=1)
    avg_embeds = jnp.mean(embeds, axis=1)  # [B, EMBED]
    # output = self.linear(avg_embeds)
    output = avg_embeds @ lin_w.T + lin_b  # [B, VOCAB]
    return output

if __name__ == "__main__":
    import jax
    _d = setup_inputs()
    print(jax.jit(kernel)(*tuple(_d.values())))

</pallas_src>

<mosaic_0001>
#map = affine_map<(d0, d1) -> (0, 0)>
module attributes {stable_mosaic.version = 14 : i64} {
  func.func @gather_mean_t(%arg0: i32, %arg1: i32, %arg2: memref<20x1024xi32, #tpu.memory_space<hbm>>, %arg3: memref<64x100000xf32, #tpu.memory_space<hbm>>, %arg4: memref<64x1024xf32, #tpu.memory_space<hbm>>, %arg5: memref<100000xf32, #tpu.memory_space<vmem>>, %arg6: memref<20x1024xi32, #tpu.memory_space<vmem>>, %arg7: memref<2x1024xf32, #tpu.memory_space<vmem>>, %arg8: memref<!tpu.dma_semaphore, #tpu.memory_space<semaphore_mem>>) attributes {dimension_semantics = [#tpu.dimension_semantics<core_parallel>, #tpu.dimension_semantics<subcore_parallel>], iteration_bounds = array<i64: 2, 16>, scalar_prefetch = 0 : i64, scratch_operands = 4 : i64, tpu.core_type = #tpu.core_type<sc_vector_subcore>, window_params = [{transform_indices = #map}, {transform_indices = #map}, {transform_indices = #map}]} {
    %mul3A = arith.constant 2 : i32
    %mul3A_0 = arith.muli %arg1, %mul3A : i32
    %add3A = arith.addi %mul3A_0, %arg0 : i32
    "tpu.region"() ({
      %run_scoped3A = tpu.sem_alloc : memref<!tpu.dma_semaphore, #tpu.memory_space<semaphore_mem>>
      tpu.enqueue_dma source(%arg2 : memref<20x1024xi32, #tpu.memory_space<hbm>>) target(%arg6 : memref<20x1024xi32, #tpu.memory_space<vmem>>) target_semaphore(%run_scoped3A : memref<!tpu.dma_semaphore, #tpu.memory_space<semaphore_mem>>)
      tpu.wait_dma2 semaphore(%run_scoped3A : memref<!tpu.dma_semaphore, #tpu.memory_space<semaphore_mem>>) src(%arg2 : memref<20x1024xi32, #tpu.memory_space<hbm>>) dst(%arg6 : memref<20x1024xi32, #tpu.memory_space<vmem>>)
      tpu.yield
    }) : () -> ()
    %mul3A_1 = arith.constant 2 : i32
    %mul3A_2 = arith.muli %add3A, %mul3A_1 : i32
    %add3A_3 = arith.constant 0 : i32
    %add3A_4 = arith.addi %mul3A_2, %add3A_3 : i32
    %dma_start3A = arith.constant 0 : i32
    %dma_start3A_5 = tpu.memref_slice %arg3[%add3A_4, %dma_start3A] : memref<64x100000xf32, #tpu.memory_space<hbm>> -> memref<1x100000xf32, #tpu.memory_space<hbm>>
    %dma_start3A_6 = tpu.memref_squeeze %dma_start3A_5 : memref<1x100000xf32, #tpu.memory_space<hbm>> -> memref<100000xf32, #tpu.memory_space<hbm>>
    %dma_start3A_7 = arith.constant 0 : i32
    %dma_start3A_8 = tpu.memref_slice %arg3[%add3A_4, %dma_start3A_7] : memref<64x100000xf32, #tpu.memory_space<hbm>> -> memref<1x100000xf32, #tpu.memory_space<hbm>>
    %dma_start3A_9 = tpu.memref_squeeze %dma_start3A_8 : memref<1x100000xf32, #tpu.memory_space<hbm>> -> memref<100000xf32, #tpu.memory_space<hbm>>
    tpu.enqueue_dma source(%dma_start3A_9 : memref<100000xf32, #tpu.memory_space<hbm>>) target(%arg5 : memref<100000xf32, #tpu.memory_space<vmem>>) target_semaphore(%arg8 : memref<!tpu.dma_semaphore, #tpu.memory_space<semaphore_mem>>)
    %dma_wait3A = arith.constant 0 : i32
    %dma_wait3A_10 = tpu.memref_slice %arg3[%add3A_4, %dma_wait3A] : memref<64x100000xf32, #tpu.memory_space<hbm>> -> memref<1x100000xf32, #tpu.memory_space<hbm>>
    %dma_wait3A_11 = tpu.memref_squeeze %dma_wait3A_10 : memref<1x100000xf32, #tpu.memory_space<hbm>> -> memref<100000xf32, #tpu.memory_space<hbm>>
    %dma_wait3A_12 = arith.constant 0 : i32
    %dma_wait3A_13 = tpu.memref_slice %arg3[%add3A_4, %dma_wait3A_12] : memref<64x100000xf32, #tpu.memory_space<hbm>> -> memref<1x100000xf32, #tpu.memory_space<hbm>>
    %dma_wait3A_14 = tpu.memref_squeeze %dma_wait3A_13 : memref<1x100000xf32, #tpu.memory_space<hbm>> -> memref<100000xf32, #tpu.memory_space<hbm>>
    tpu.wait_dma2 semaphore(%arg8 : memref<!tpu.dma_semaphore, #tpu.memory_space<semaphore_mem>>) src(%dma_wait3A_14 : memref<100000xf32, #tpu.memory_space<hbm>>) dst(%arg5 : memref<100000xf32, #tpu.memory_space<vmem>>)
    %scan3A = arith.constant 0 : i32
    %scan3A_15 = arith.constant 0 : i32
    %scan3A_16 = arith.constant 64 : i32
    %scan3A_17 = arith.addi %scan3A_15, %scan3A_16 : i32
    %scan3A_18 = arith.constant 1 : i32
    scf.for %scan3A_44 = %scan3A_15 to %scan3A_17 step %scan3A_18  : i32 {
      %mul3A_45 = arith.constant 16 : i32
      %mul3A_46 = arith.muli %scan3A_44, %mul3A_45 : i32
      %get3A = arith.constant 0 : i32
      %get3A_47 = arith.index_cast %get3A : i32 to index
      %get3A_48 = arith.index_cast %mul3A_46 : i32 to index
      %get3A_49 = tpu.vector_load %arg6[%get3A_47, %get3A_48] {strides = array<i32>} : memref<20x1024xi32, #tpu.memory_space<vmem>>, vector<16xi32>,
      %gather3A = tpu.vector_load_idx %arg5[%get3A_49] : memref<100000xf32, #tpu.memory_space<vmem>>[vector<16xi32>], vector<16xf32>,
      %get3A_50 = arith.constant 1 : i32
      %get3A_51 = arith.index_cast %get3A_50 : i32 to index
      %get3A_52 = arith.index_cast %mul3A_46 : i32 to index
      %get3A_53 = tpu.vector_load %arg6[%get3A_51, %get3A_52] {strides = array<i32>} : memref<20x1024xi32, #tpu.memory_space<vmem>>, vector<16xi32>,
      %gather3A_54 = tpu.vector_load_idx %arg5[%get3A_53] : memref<100000xf32, #tpu.memory_space<vmem>>[vector<16xi32>], vector<16xf32>,
      %add3A_55 = arith.addf %gather3A, %gather3A_54 : vector<16xf32>
      %get3A_56 = arith.constant 2 : i32
      %get3A_57 = arith.index_cast %get3A_56 : i32 to index
      %get3A_58 = arith.index_cast %mul3A_46 : i32 to index
      %get3A_59 = tpu.vector_load %arg6[%get3A_57, %get3A_58] {strides = array<i32>} : memref<20x1024xi32, #tpu.memory_space<vmem>>, vector<16xi32>,
      %gather3A_60 = tpu.vector_load_idx %arg5[%get3A_59] : memref<100000xf32, #tpu.memory_space<vmem>>[vector<16xi32>], vector<16xf32>,
      %add3A_61 = arith.addf %add3A_55, %gather3A_60 : vector<16xf32>
      %get3A_62 = arith.constant 3 : i32
      %get3A_63 = arith.index_cast %get3A_62 : i32 to index
      %get3A_64 = arith.index_cast %mul3A_46 : i32 to index
      %get3A_65 = tpu.vector_load %arg6[%get3A_63, %get3A_64] {strides = array<i32>} : memref<20x1024xi32, #tpu.memory_space<vmem>>, vector<16xi32>,
      %gather3A_66 = tpu.vector_load_idx %arg5[%get3A_65] : memref<100000xf32, #tpu.memory_space<vmem>>[vector<16xi32>], vector<16xf32>,
      %add3A_67 = arith.addf %add3A_61, %gather3A_66 : vector<16xf32>
      %get3A_68 = arith.constant 4 : i32
      %get3A_69 = arith.index_cast %get3A_68 : i32 to index
      %get3A_70 = arith.index_cast %mul3A_46 : i32 to index
      %get3A_71 = tpu.vector_load %arg6[%get3A_69, %get3A_70] {strides = array<i32>} : memref<20x1024xi32, #tpu.memory_space<vmem>>, vector<16xi32>,
      %gather3A_72 = tpu.vector_load_idx %arg5[%get3A_71] : memref<100000xf32, #tpu.memory_space<vmem>>[vector<16xi32>], vector<16xf32>,
      %add3A_73 = arith.addf %add3A_67, %gather3A_72 : vector<16xf32>
      %get3A_74 = arith.constant 5 : i32
      %get3A_75 = arith.index_cast %get3A_74 : i32 to index
      %get3A_76 = arith.index_cast %mul3A_46 : i32 to index
      %get3A_77 = tpu.vector_load %arg6[%get3A_75, %get3A_76] {strides = array<i32>} : memref<20x1024xi32, #tpu.memory_space<vmem>>, vector<16xi32>,
      %gather3A_78 = tpu.vector_load_idx %arg5[%get3A_77] : memref<100000xf32, #tpu.memory_space<vmem>>[vector<16xi32>], vector<16xf32>,
      %add3A_79 = arith.addf %add3A_73, %gather3A_78 : vector<16xf32>
      %get3A_80 = arith.constant 6 : i32
      %get3A_81 = arith.index_cast %get3A_80 : i32 to index
      %get3A_82 = arith.index_cast %mul3A_46 : i32 to index
      %get3A_83 = tpu.vector_load %arg6[%get3A_81, %get3A_82] {strides = array<i32>} : memref<20x1024xi32, #tpu.memory_space<vmem>>, vector<16xi32>,
      %gather3A_84 = tpu.vector_load_idx %arg5[%get3A_83] : memref<100000xf32, #tpu.memory_space<vmem>>[vector<16xi32>], vector<16xf32>,
      %add3A_85 = arith.addf %add3A_79, %gather3A_84 : vector<16xf32>
      %get3A_86 = arith.constant 7 : i32
      %get3A_87 = arith.index_cast %get3A_86 : i32 to index
      %get3A_88 = arith.index_cast %mul3A_46 : i32 to index
      %get3A_89 = tpu.vector_load %arg6[%get3A_87, %get3A_88] {strides = array<i32>} : memref<20x1024xi32, #tpu.memory_space<vmem>>, vector<16xi32>,
      %gather3A_90 = tpu.vector_load_idx %arg5[%get3A_89] : memref<100000xf32, #tpu.memory_space<vmem>>[vector<16xi32>], vector<16xf32>,
      %add3A_91 = arith.addf %add3A_85, %gather3A_90 : vector<16xf32>
      %get3A_92 = arith.constant 8 : i32
      %get3A_93 = arith.index_cast %get3A_92 : i32 to index
      %get3A_94 = arith.index_cast %mul3A_46 : i32 to index
      %get3A_95 = tpu.vector_load %arg6[%get3A_93, %get3A_94] {strides = array<i32>} : memref<20x1024xi32, #tpu.memory_space<vmem>>, vector<16xi32>,
      %gather3A_96 = tpu.vector_load_idx %arg5[%get3A_95] : memref<100000xf32, #tpu.memory_space<vmem>>[vector<16xi32>], vector<16xf32>,
      %add3A_97 = arith.addf %add3A_91, %gather3A_96 : vector<16xf32>
      %get3A_98 = arith.constant 9 : i32
      %get3A_99 = arith.index_cast %get3A_98 : i32 to index
      %get3A_100 = arith.index_cast %mul3A_46 : i32 to index
      %get3A_101 = tpu.vector_load %arg6[%get3A_99, %get3A_100] {strides = array<i32>} : memref<20x1024xi32, #tpu.memory_space<vmem>>, vector<16xi32>,
      %gather3A_102 = tpu.vector_load_idx %arg5[%get3A_101] : memref<100000xf32, #tpu.memory_space<vmem>>[vector<16xi32>], vector<16xf32>,
      %add3A_103 = arith.addf %add3A_97, %gather3A_102 : vector<16xf32>
      %get3A_104 = arith.constant 10 : i32
      %get3A_105 = arith.index_cast %get3A_104 : i32 to index
      %get3A_106 = arith.index_cast %mul3A_46 : i32 to index
      %get3A_107 = tpu.vector_load %arg6[%get3A_105, %get3A_106] {strides = array<i32>} : memref<20x1024xi32, #tpu.memory_space<vmem>>, vector<16xi32>,
      %gather3A_108 = tpu.vector_load_idx %arg5[%get3A_107] : memref<100000xf32, #tpu.memory_space<vmem>>[vector<16xi32>], vector<16xf32>,
      %add3A_109 = arith.addf %add3A_103, %gather3A_108 : vector<16xf32>
      %get3A_110 = arith.constant 11 : i32
      %get3A_111 = arith.index_cast %get3A_110 : i32 to index
      %get3A_112 = arith.index_cast %mul3A_46 : i32 to index
      %get3A_113 = tpu.vector_load %arg6[%get3A_111, %get3A_112] {strides = array<i32>} : memref<20x1024xi32, #tpu.memory_space<vmem>>, vector<16xi32>,
      %gather3A_114 = tpu.vector_load_idx %arg5[%get3A_113] : memref<100000xf32, #tpu.memory_space<vmem>>[vector<16xi32>], vector<16xf32>,
      %add3A_115 = arith.addf %add3A_109, %gather3A_114 : vector<16xf32>
      %get3A_116 = arith.constant 12 : i32
      %get3A_117 = arith.index_cast %get3A_116 : i32 to index
      %get3A_118 = arith.index_cast %mul3A_46 : i32 to index
      %get3A_119 = tpu.vector_load %arg6[%get3A_117, %get3A_118] {strides = array<i32>} : memref<20x1024xi32, #tpu.memory_space<vmem>>, vector<16xi32>,
      %gather3A_120 = tpu.vector_load_idx %arg5[%get3A_119] : memref<100000xf32, #tpu.memory_space<vmem>>[vector<16xi32>], vector<16xf32>,
      %add3A_121 = arith.addf %add3A_115, %gather3A_120 : vector<16xf32>
      %get3A_122 = arith.constant 13 : i32
      %get3A_123 = arith.index_cast %get3A_122 : i32 to index
      %get3A_124 = arith.index_cast %mul3A_46 : i32 to index
      %get3A_125 = tpu.vector_load %arg6[%get3A_123, %get3A_124] {strides = array<i32>} : memref<20x1024xi32, #tpu.memory_space<vmem>>, vector<16xi32>,
      %gather3A_126 = tpu.vector_load_idx %arg5[%get3A_125] : memref<100000xf32, #tpu.memory_space<vmem>>[vector<16xi32>], vector<16xf32>,
      %add3A_127 = arith.addf %add3A_121, %gather3A_126 : vector<16xf32>
      %get3A_128 = arith.constant 14 : i32
      %get3A_129 = arith.index_cast %get3A_128 : i32 to index
      %get3A_130 = arith.index_cast %mul3A_46 : i32 to index
      %get3A_131 = tpu.vector_load %arg6[%get3A_129, %get3A_130] {strides = array<i32>} : memref<20x1024xi32, #tpu.memory_space<vmem>>, vector<16xi32>,
      %gather3A_132 = tpu.vector_load_idx %arg5[%get3A_131] : memref<100000xf32, #tpu.memory_space<vmem>>[vector<16xi32>], vector<16xf32>,
      %add3A_133 = arith.addf %add3A_127, %gather3A_132 : vector<16xf32>
      %get3A_134 = arith.constant 15 : i32
      %get3A_135 = arith.index_cast %get3A_134 : i32 to index
      %get3A_136 = arith.index_cast %mul3A_46 : i32 to index
      %get3A_137 = tpu.vector_load %arg6[%get3A_135, %get3A_136] {strides = array<i32>} : memref<20x1024xi32, #tpu.memory_space<vmem>>, vector<16xi32>,
      %gather3A_138 = tpu.vector_load_idx %arg5[%get3A_137] : memref<100000xf32, #tpu.memory_space<vmem>>[vector<16xi32>], vector<16xf32>,
      %add3A_139 = arith.addf %add3A_133, %gather3A_138 : vector<16xf32>
      %get3A_140 = arith.constant 16 : i32
      %get3A_141 = arith.index_cast %get3A_140 : i32 to index
      %get3A_142 = arith.index_cast %mul3A_46 : i32 to index
      %get3A_143 = tpu.vector_load %arg6[%get3A_141, %get3A_142] {strides = array<i32>} : memref<20x1024xi32, #tpu.memory_space<vmem>>, vector<16xi32>,
      %gather3A_144 = tpu.vector_load_idx %arg5[%get3A_143] : memref<100000xf32, #tpu.memory_space<vmem>>[vector<16xi32>], vector<16xf32>,
      %add3A_145 = arith.addf %add3A_139, %gather3A_144 : vector<16xf32>
      %get3A_146 = arith.constant 17 : i32
      %get3A_147 = arith.index_cast %get3A_146 : i32 to index
      %get3A_148 = arith.index_cast %mul3A_46 : i32 to index
      %get3A_149 = tpu.vector_load %arg6[%get3A_147, %get3A_148] {strides = array<i32>} : memref<20x1024xi32, #tpu.memory_space<vmem>>, vector<16xi32>,
      %gather3A_150 = tpu.vector_load_idx %arg5[%get3A_149] : memref<100000xf32, #tpu.memory_space<vmem>>[vector<16xi32>], vector<16xf32>,
      %add3A_151 = arith.addf %add3A_145, %gather3A_150 : vector<16xf32>
      %get3A_152 = arith.constant 18 : i32
      %get3A_153 = arith.index_cast %get3A_152 : i32 to index
      %get3A_154 = arith.index_cast %mul3A_46 : i32 to index
      %get3A_155 = tpu.vector_load %arg6[%get3A_153, %get3A_154] {strides = array<i32>} : memref<20x1024xi32, #tpu.memory_space<vmem>>, vector<16xi32>,
      %gather3A_156 = tpu.vector_load_idx %arg5[%get3A_155] : memref<100000xf32, #tpu.memory_space<vmem>>[vector<16xi32>], vector<16xf32>,
      %add3A_157 = arith.addf %add3A_151, %gather3A_156 : vector<16xf32>
      %get3A_158 = arith.constant 19 : i32
      %get3A_159 = arith.index_cast %get3A_158 : i32 to index
      %get3A_160 = arith.index_cast %mul3A_46 : i32 to index
      %get3A_161 = tpu.vector_load %arg6[%get3A_159, %get3A_160] {strides = array<i32>} : memref<20x1024xi32, #tpu.memory_space<vmem>>, vector<16xi32>,
      %gather3A_162 = tpu.vector_load_idx %arg5[%get3A_161] : memref<100000xf32, #tpu.memory_space<vmem>>[vector<16xi32>], vector<16xf32>,
      %add3A_163 = arith.addf %add3A_157, %gather3A_162 : vector<16xf32>
      %mul3A_164 = arith.constant 5.000000e-02 : f32
      %mul3A_165 = vector.broadcast %mul3A_164 : f32 to vector<16xf32>
      %mul3A_166 = arith.mulf %add3A_163, %mul3A_165 : vector<16xf32>
      %swap3A = arith.constant 0 : i32
      %swap3A_167 = arith.index_cast %swap3A : i32 to index
      %swap3A_168 = arith.index_cast %mul3A_46 : i32 to index
      %swap3A_169 = tpu.vector_load %arg7[%swap3A_167, %swap3A_168] {strides = array<i32>} : memref<2x1024xf32, #tpu.memory_space<vmem>>, vector<16xf32>,
      tpu.vector_store %arg7[%swap3A_167, %swap3A_168], %mul3A_166 {strides = array<i32>} : memref<2x1024xf32, #tpu.memory_space<vmem>>, vector<16xf32>,
    }
    %scan3A_19 = arith.constant 64 : i32
    %mul3A_20 = arith.constant 2 : i32
    %mul3A_21 = arith.muli %add3A, %mul3A_20 : i32
    %add3A_22 = arith.constant 1 : i32
    %add3A_23 = arith.addi %mul3A_21, %add3A_22 : i32
    %dma_start3A_24 = arith.constant 0 : i32
    %dma_start3A_25 = tpu.memref_slice %arg3[%add3A_23, %dma_start3A_24] : memref<64x100000xf32, #tpu.memory_space<hbm>> -> memref<1x100000xf32, #tpu.memory_space<hbm>>
    %dma_start3A_26 = tpu.memref_squeeze %dma_start3A_25 : memref<1x100000xf32, #tpu.memory_space<hbm>> -> memref<100000xf32, #tpu.memory_space<hbm>>
    %dma_start3A_27 = arith.constant 0 : i32
    %dma_start3A_28 = tpu.memref_slice %arg3[%add3A_23, %dma_start3A_27] : memref<64x100000xf32, #tpu.memory_space<hbm>> -> memref<1x100000xf32, #tpu.memory_space<hbm>>
    %dma_start3A_29 = tpu.memref_squeeze %dma_start3A_28 : memref<1x100000xf32, #tpu.memory_space<hbm>> -> memref<100000xf32, #tpu.memory_space<hbm>>
    tpu.enqueue_dma source(%dma_start3A_29 : memref<100000xf32, #tpu.memory_space<hbm>>) target(%arg5 : memref<100000xf32, #tpu.memory_space<vmem>>) target_semaphore(%arg8 : memref<!tpu.dma_semaphore, #tpu.memory_space<semaphore_mem>>)
    %dma_wait3A_30 = arith.constant 0 : i32
    %dma_wait3A_31 = tpu.memref_slice %arg3[%add3A_23, %dma_wait3A_30] : memref<64x100000xf32, #tpu.memory_space<hbm>> -> memref<1x100000xf32, #tpu.memory_space<hbm>>
    %dma_wait3A_32 = tpu.memref_squeeze %dma_wait3A_31 : memref<1x100000xf32, #tpu.memory_space<hbm>> -> memref<100000xf32, #tpu.memory_space<hbm>>
    %dma_wait3A_33 = arith.constant 0 : i32
    %dma_wait3A_34 = tpu.memref_slice %arg3[%add3A_23, %dma_wait3A_33] : memref<64x100000xf32, #tpu.memory_space<hbm>> -> memref<1x100000xf32, #tpu.memory_space<hbm>>
    %dma_wait3A_35 = tpu.memref_squeeze %dma_wait3A_34 : memref<1x100000xf32, #tpu.memory_space<hbm>> -> memref<100000xf32, #tpu.memory_space<hbm>>
    tpu.wait_dma2 semaphore(%arg8 : memref<!tpu.dma_semaphore, #tpu.memory_space<semaphore_mem>>) src(%dma_wait3A_35 : memref<100000xf32, #tpu.memory_space<hbm>>) dst(%arg5 : memref<100000xf32, #tpu.memory_space<vmem>>)
    %scan3A_36 = arith.constant 0 : i32
    %scan3A_37 = arith.constant 0 : i32
    %scan3A_38 = arith.constant 64 : i32
    %scan3A_39 = arith.addi %scan3A_37, %scan3A_38 : i32
    %scan3A_40 = arith.constant 1 : i32
    scf.for %scan3A_44 = %scan3A_37 to %scan3A_39 step %scan3A_40  : i32 {
      %mul3A_45 = arith.constant 16 : i32
      %mul3A_46 = arith.muli %scan3A_44, %mul3A_45 : i32
      %get3A = arith.constant 0 : i32
      %get3A_47 = arith.index_cast %get3A : i32 to index
      %get3A_48 = arith.index_cast %mul3A_46 : i32 to index
      %get3A_49 = tpu.vector_load %arg6[%get3A_47, %get3A_48] {strides = array<i32>} : memref<20x1024xi32, #tpu.memory_space<vmem>>, vector<16xi32>,
      %gather3A = tpu.vector_load_idx %arg5[%get3A_49] : memref<100000xf32, #tpu.memory_space<vmem>>[vector<16xi32>], vector<16xf32>,
      %get3A_50 = arith.constant 1 : i32
      %get3A_51 = arith.index_cast %get3A_50 : i32 to index
      %get3A_52 = arith.index_cast %mul3A_46 : i32 to index
      %get3A_53 = tpu.vector_load %arg6[%get3A_51, %get3A_52] {strides = array<i32>} : memref<20x1024xi32, #tpu.memory_space<vmem>>, vector<16xi32>,
      %gather3A_54 = tpu.vector_load_idx %arg5[%get3A_53] : memref<100000xf32, #tpu.memory_space<vmem>>[vector<16xi32>], vector<16xf32>,
      %add3A_55 = arith.addf %gather3A, %gather3A_54 : vector<16xf32>
      %get3A_56 = arith.constant 2 : i32
      %get3A_57 = arith.index_cast %get3A_56 : i32 to index
      %get3A_58 = arith.index_cast %mul3A_46 : i32 to index
      %get3A_59 = tpu.vector_load %arg6[%get3A_57, %get3A_58] {strides = array<i32>} : memref<20x1024xi32, #tpu.memory_space<vmem>>, vector<16xi32>,
      %gather3A_60 = tpu.vector_load_idx %arg5[%get3A_59] : memref<100000xf32, #tpu.memory_space<vmem>>[vector<16xi32>], vector<16xf32>,
      %add3A_61 = arith.addf %add3A_55, %gather3A_60 : vector<16xf32>
      %get3A_62 = arith.constant 3 : i32
      %get3A_63 = arith.index_cast %get3A_62 : i32 to index
      %get3A_64 = arith.index_cast %mul3A_46 : i32 to index
      %get3A_65 = tpu.vector_load %arg6[%get3A_63, %get3A_64] {strides = array<i32>} : memref<20x1024xi32, #tpu.memory_space<vmem>>, vector<16xi32>,
      %gather3A_66 = tpu.vector_load_idx %arg5[%get3A_65] : memref<100000xf32, #tpu.memory_space<vmem>>[vector<16xi32>], vector<16xf32>,
      %add3A_67 = arith.addf %add3A_61, %gather3A_66 : vector<16xf32>
      %get3A_68 = arith.constant 4 : i32
      %get3A_69 = arith.index_cast %get3A_68 : i32 to index
      %get3A_70 = arith.index_cast %mul3A_46 : i32 to index
      %get3A_71 = tpu.vector_load %arg6[%get3A_69, %get3A_70] {strides = array<i32>} : memref<20x1024xi32, #tpu.memory_space<vmem>>, vector<16xi32>,
      %gather3A_72 = tpu.vector_load_idx %arg5[%get3A_71] : memref<100000xf32, #tpu.memory_space<vmem>>[vector<16xi32>], vector<16xf32>,
      %add3A_73 = arith.addf %add3A_67, %gather3A_72 : vector<16xf32>
      %get3A_74 = arith.constant 5 : i32
      %get3A_75 = arith.index_cast %get3A_74 : i32 to index
      %get3A_76 = arith.index_cast %mul3A_46 : i32 to index
      %get3A_77 = tpu.vector_load %arg6[%get3A_75, %get3A_76] {strides = array<i32>} : memref<20x1024xi32, #tpu.memory_space<vmem>>, vector<16xi32>,
      %gather3A_78 = tpu.vector_load_idx %arg5[%get3A_77] : memref<100000xf32, #tpu.memory_space<vmem>>[vector<16xi32>], vector<16xf32>,
      %add3A_79 = arith.addf %add3A_73, %gather3A_78 : vector<16xf32>
      %get3A_80 = arith.constant 6 : i32
      %get3A_81 = arith.index_cast %get3A_80 : i32 to index
      %get3A_82 = arith.index_cast %mul3A_46 : i32 to index
      %get3A_83 = tpu.vector_load %arg6[%get3A_81, %get3A_82] {strides = array<i32>} : memref<20x1024xi32, #tpu.memory_space<vmem>>, vector<16xi32>,
      %gather3A_84 = tpu.vector_load_idx %arg5[%get3A_83] : memref<100000xf32, #tpu.memory_space<vmem>>[vector<16xi32>], vector<16xf32>,
      %add3A_85 = arith.addf %add3A_79, %gather3A_84 : vector<16xf32>
      %get3A_86 = arith.constant 7 : i32
      %get3A_87 = arith.index_cast %get3A_86 : i32 to index
      %get3A_88 = arith.index_cast %mul3A_46 : i32 to index
      %get3A_89 = tpu.vector_load %arg6[%get3A_87, %get3A_88] {strides = array<i32>} : memref<20x1024xi32, #tpu.memory_space<vmem>>, vector<16xi32>,
      %gather3A_90 = tpu.vector_load_idx %arg5[%get3A_89] : memref<100000xf32, #tpu.memory_space<vmem>>[vector<16xi32>], vector<16xf32>,
      %add3A_91 = arith.addf %add3A_85, %gather3A_90 : vector<16xf32>
      %get3A_92 = arith.constant 8 : i32
      %get3A_93 = arith.index_cast %get3A_92 : i32 to index
      %get3A_94 = arith.index_cast %mul3A_46 : i32 to index
      %get3A_95 = tpu.vector_load %arg6[%get3A_93, %get3A_94] {strides = array<i32>} : memref<20x1024xi32, #tpu.memory_space<vmem>>, vector<16xi32>,
      %gather3A_96 = tpu.vector_load_idx %arg5[%get3A_95] : memref<100000xf32, #tpu.memory_space<vmem>>[vector<16xi32>], vector<16xf32>,
      %add3A_97 = arith.addf %add3A_91, %gather3A_96 : vector<16xf32>
      %get3A_98 = arith.constant 9 : i32
      %get3A_99 = arith.index_cast %get3A_98 : i32 to index
      %get3A_100 = arith.index_cast %mul3A_46 : i32 to index
      %get3A_101 = tpu.vector_load %arg6[%get3A_99, %get3A_100] {strides = array<i32>} : memref<20x1024xi32, #tpu.memory_space<vmem>>, vector<16xi32>,
      %gather3A_102 = tpu.vector_load_idx %arg5[%get3A_101] : memref<100000xf32, #tpu.memory_space<vmem>>[vector<16xi32>], vector<16xf32>,
      %add3A_103 = arith.addf %add3A_97, %gather3A_102 : vector<16xf32>
      %get3A_104 = arith.constant 10 : i32
      %get3A_105 = arith.index_cast %get3A_104 : i32 to index
      %get3A_106 = arith.index_cast %mul3A_46 : i32 to index
      %get3A_107 = tpu.vector_load %arg6[%get3A_105, %get3A_106] {strides = array<i32>} : memref<20x1024xi32, #tpu.memory_space<vmem>>, vector<16xi32>,
      %gather3A_108 = tpu.vector_load_idx %arg5[%get3A_107] : memref<100000xf32, #tpu.memory_space<vmem>>[vector<16xi32>], vector<16xf32>,
      %add3A_109 = arith.addf %add3A_103, %gather3A_108 : vector<16xf32>
      %get3A_110 = arith.constant 11 : i32
      %get3A_111 = arith.index_cast %get3A_110 : i32 to index
      %get3A_112 = arith.index_cast %mul3A_46 : i32 to index
      %get3A_113 = tpu.vector_load %arg6[%get3A_111, %get3A_112] {strides = array<i32>} : memref<20x1024xi32, #tpu.memory_space<vmem>>, vector<16xi32>,
      %gather3A_114 = tpu.vector_load_idx %arg5[%get3A_113] : memref<100000xf32, #tpu.memory_space<vmem>>[vector<16xi32>], vector<16xf32>,
      %add3A_115 = arith.addf %add3A_109, %gather3A_114 : vector<16xf32>
      %get3A_116 = arith.constant 12 : i32
      %get3A_117 = arith.index_cast %get3A_116 : i32 to index
      %get3A_118 = arith.index_cast %mul3A_46 : i32 to index
      %get3A_119 = tpu.vector_load %arg6[%get3A_117, %get3A_118] {strides = array<i32>} : memref<20x1024xi32, #tpu.memory_space<vmem>>, vector<16xi32>,
      %gather3A_120 = tpu.vector_load_idx %arg5[%get3A_119] : memref<100000xf32, #tpu.memory_space<vmem>>[vector<16xi32>], vector<16xf32>,
      %add3A_121 = arith.addf %add3A_115, %gather3A_120 : vector<16xf32>
      %get3A_122 = arith.constant 13 : i32
      %get3A_123 = arith.index_cast %get3A_122 : i32 to index
      %get3A_124 = arith.index_cast %mul3A_46 : i32 to index
      %get3A_125 = tpu.vector_load %arg6[%get3A_123, %get3A_124] {strides = array<i32>} : memref<20x1024xi32, #tpu.memory_space<vmem>>, vector<16xi32>,
      %gather3A_126 = tpu.vector_load_idx %arg5[%get3A_125] : memref<100000xf32, #tpu.memory_space<vmem>>[vector<16xi32>], vector<16xf32>,
      %add3A_127 = arith.addf %add3A_121, %gather3A_126 : vector<16xf32>
      %get3A_128 = arith.constant 14 : i32
      %get3A_129 = arith.index_cast %get3A_128 : i32 to index
      %get3A_130 = arith.index_cast %mul3A_46 : i32 to index
      %get3A_131 = tpu.vector_load %arg6[%get3A_129, %get3A_130] {strides = array<i32>} : memref<20x1024xi32, #tpu.memory_space<vmem>>, vector<16xi32>,
      %gather3A_132 = tpu.vector_load_idx %arg5[%get3A_131] : memref<100000xf32, #tpu.memory_space<vmem>>[vector<16xi32>], vector<16xf32>,
      %add3A_133 = arith.addf %add3A_127, %gather3A_132 : vector<16xf32>
      %get3A_134 = arith.constant 15 : i32
      %get3A_135 = arith.index_cast %get3A_134 : i32 to index
      %get3A_136 = arith.index_cast %mul3A_46 : i32 to index
      %get3A_137 = tpu.vector_load %arg6[%get3A_135, %get3A_136] {strides = array<i32>} : memref<20x1024xi32, #tpu.memory_space<vmem>>, vector<16xi32>,
      %gather3A_138 = tpu.vector_load_idx %arg5[%get3A_137] : memref<100000xf32, #tpu.memory_space<vmem>>[vector<16xi32>], vector<16xf32>,
      %add3A_139 = arith.addf %add3A_133, %gather3A_138 : vector<16xf32>
      %get3A_140 = arith.constant 16 : i32
      %get3A_141 = arith.index_cast %get3A_140 : i32 to index
      %get3A_142 = arith.index_cast %mul3A_46 : i32 to index
      %get3A_143 = tpu.vector_load %arg6[%get3A_141, %get3A_142] {strides = array<i32>} : memref<20x1024xi32, #tpu.memory_space<vmem>>, vector<16xi32>,
      %gather3A_144 = tpu.vector_load_idx %arg5[%get3A_143] : memref<100000xf32, #tpu.memory_space<vmem>>[vector<16xi32>], vector<16xf32>,
      %add3A_145 = arith.addf %add3A_139, %gather3A_144 : vector<16xf32>
      %get3A_146 = arith.constant 17 : i32
      %get3A_147 = arith.index_cast %get3A_146 : i32 to index
      %get3A_148 = arith.index_cast %mul3A_46 : i32 to index
      %get3A_149 = tpu.vector_load %arg6[%get3A_147, %get3A_148] {strides = array<i32>} : memref<20x1024xi32, #tpu.memory_space<vmem>>, vector<16xi32>,
      %gather3A_150 = tpu.vector_load_idx %arg5[%get3A_149] : memref<100000xf32, #tpu.memory_space<vmem>>[vector<16xi32>], vector<16xf32>,
      %add3A_151 = arith.addf %add3A_145, %gather3A_150 : vector<16xf32>
      %get3A_152 = arith.constant 18 : i32
      %get3A_153 = arith.index_cast %get3A_152 : i32 to index
      %get3A_154 = arith.index_cast %mul3A_46 : i32 to index
      %get3A_155 = tpu.vector_load %arg6[%get3A_153, %get3A_154] {strides = array<i32>} : memref<20x1024xi32, #tpu.memory_space<vmem>>, vector<16xi32>,
      %gather3A_156 = tpu.vector_load_idx %arg5[%get3A_155] : memref<100000xf32, #tpu.memory_space<vmem>>[vector<16xi32>], vector<16xf32>,
      %add3A_157 = arith.addf %add3A_151, %gather3A_156 : vector<16xf32>
      %get3A_158 = arith.constant 19 : i32
      %get3A_159 = arith.index_cast %get3A_158 : i32 to index
      %get3A_160 = arith.index_cast %mul3A_46 : i32 to index
      %get3A_161 = tpu.vector_load %arg6[%get3A_159, %get3A_160] {strides = array<i32>} : memref<20x1024xi32, #tpu.memory_space<vmem>>, vector<16xi32>,
      %gather3A_162 = tpu.vector_load_idx %arg5[%get3A_161] : memref<100000xf32, #tpu.memory_space<vmem>>[vector<16xi32>], vector<16xf32>,
      %add3A_163 = arith.addf %add3A_157, %gather3A_162 : vector<16xf32>
      %mul3A_164 = arith.constant 5.000000e-02 : f32
      %mul3A_165 = vector.broadcast %mul3A_164 : f32 to vector<16xf32>
      %mul3A_166 = arith.mulf %add3A_163, %mul3A_165 : vector<16xf32>
      %swap3A = arith.constant 1 : i32
      %swap3A_167 = arith.index_cast %swap3A : i32 to index
      %swap3A_168 = arith.index_cast %mul3A_46 : i32 to index
      %swap3A_169 = tpu.vector_load %arg7[%swap3A_167, %swap3A_168] {strides = array<i32>} : memref<2x1024xf32, #tpu.memory_space<vmem>>, vector<16xf32>,
      tpu.vector_store %arg7[%swap3A_167, %swap3A_168], %mul3A_166 {strides = array<i32>} : memref<2x1024xf32, #tpu.memory_space<vmem>>, vector<16xf32>,
    }
    %scan3A_41 = arith.constant 64 : i32
    %mul3A_42 = arith.constant 2 : i32
    %mul3A_43 = arith.muli %add3A, %mul3A_42 : i32
    "tpu.region"() ({
      %run_scoped3A = tpu.sem_alloc : memref<!tpu.dma_semaphore, #tpu.memory_space<semaphore_mem>>
      %dma_start3A_44 = arith.constant 0 : i32
      %dma_start3A_45 = tpu.memref_slice %arg4[%mul3A_43, %dma_start3A_44] : memref<64x1024xf32, #tpu.memory_space<hbm>> -> memref<2x1024xf32, #tpu.memory_space<hbm>>
      %dma_start3A_46 = arith.constant 0 : i32
      %dma_start3A_47 = tpu.memref_slice %arg4[%mul3A_43, %dma_start3A_46] : memref<64x1024xf32, #tpu.memory_space<hbm>> -> memref<2x1024xf32, #tpu.memory_space<hbm>>
      tpu.enqueue_dma source(%arg7 : memref<2x1024xf32, #tpu.memory_space<vmem>>) target(%dma_start3A_47 : memref<2x1024xf32, #tpu.memory_space<hbm>>) target_semaphore(%run_scoped3A : memref<!tpu.dma_semaphore, #tpu.memory_space<semaphore_mem>>)
      %dma_wait3A_48 = arith.constant 0 : i32
      %dma_wait3A_49 = tpu.memref_slice %arg4[%mul3A_43, %dma_wait3A_48] : memref<64x1024xf32, #tpu.memory_space<hbm>> -> memref<2x1024xf32, #tpu.memory_space<hbm>>
      %dma_wait3A_50 = arith.constant 0 : i32
      %dma_wait3A_51 = tpu.memref_slice %arg4[%mul3A_43, %dma_wait3A_50] : memref<64x1024xf32, #tpu.memory_space<hbm>> -> memref<2x1024xf32, #tpu.memory_space<hbm>>
      tpu.wait_dma2 semaphore(%run_scoped3A : memref<!tpu.dma_semaphore, #tpu.memory_space<semaphore_mem>>) src(%arg7 : memref<2x1024xf32, #tpu.memory_space<vmem>>) dst(%dma_wait3A_51 : memref<2x1024xf32, #tpu.memory_space<hbm>>)
      tpu.yield
    }) : () -> ()
    return
  }
}

module attributes {stable_mosaic.version = 14 : i64} {
  func.func @body(%arg0: i32, %arg1: memref<64x1024xf32, #tpu.memory_space<vmem>>, %arg2: memref<64x3072xf32, #tpu.memory_space<vmem>>, %arg3: memref<3072xf32, #tpu.memory_space<vmem>>, %arg4: memref<100000x1024xf32, #tpu.memory_space<any>>, %arg5: memref<2x3072x1024xf32, #tpu.memory_space<vmem>>, %arg6: memref<2x6x!tpu.dma_semaphore, #tpu.memory_space<semaphore_mem>>) attributes {dimension_semantics = [#tpu.dimension_semantics<arbitrary>], iteration_bounds = array<i64: 33>, scalar_prefetch = 0 : i64, scratch_operands = 2 : i64, tpu.core_type = #tpu.core_type<tc>, window_params = [{pipeline_mode = #tpu.pipeline_mode<synchronous>, transform_indices = @transform_0, window_bounds = array<i64: 64, 1024>}, {transform_indices = @transform_1, window_bounds = array<i64: 64, 3072>}, {transform_indices = @transform_2, window_bounds = array<i64: 3072>}, {}]} {
    %rem3A = arith.constant 2 : i32
    %rem3A_0 = arith.remsi %arg0, %rem3A : i32
    %ge3A = arith.constant 2 : i32
    %ge3A_1 = arith.cmpi sge, %arg0, %ge3A : i32
    %convert_element_type3A = arith.extui %ge3A_1 : i1 to i32
    %cond3A = arith.constant 0 : i32
    %cond3A_2 = arith.cmpi ne, %convert_element_type3A, %cond3A : i32
    scf.if %cond3A_2 {
      %sub3A = arith.constant 2 : i32
      %sub3A_25 = arith.subi %arg0, %sub3A : i32
      %mul3A = arith.constant 3072 : i32
      %mul3A_26 = arith.muli %sub3A_25, %mul3A : i32
      %add3A_27 = arith.constant 0 : i32
      %add3A_28 = arith.addi %mul3A_26, %add3A_27 : i32
      %add3A_29 = arith.constant 512 : i32
      %add3A_30 = arith.addi %mul3A_26, %add3A_29 : i32
      %add3A_31 = arith.constant 1024 : i32
      %add3A_32 = arith.addi %mul3A_26, %add3A_31 : i32
      %add3A_33 = arith.constant 1536 : i32
      %add3A_34 = arith.addi %mul3A_26, %add3A_33 : i32
      %add3A_35 = arith.constant 2048 : i32
      %add3A_36 = arith.addi %mul3A_26, %add3A_35 : i32
      %add3A_37 = arith.constant 2560 : i32
      %add3A_38 = arith.addi %mul3A_26, %add3A_37 : i32
      %dma_wait3A = arith.constant 0 : i32
      %dma_wait3A_39 = tpu.memref_slice %arg6[%rem3A_0, %dma_wait3A] : memref<2x6x!tpu.dma_semaphore, #tpu.memory_space<semaphore_mem>> -> memref<1x1x!tpu.dma_semaphore, #tpu.memory_space<semaphore_mem>>
      %dma_wait3A_40 = tpu.memref_squeeze %dma_wait3A_39 : memref<1x1x!tpu.dma_semaphore, #tpu.memory_space<semaphore_mem>> -> memref<!tpu.dma_semaphore, #tpu.memory_space<semaphore_mem>>
      %dma_wait3A_41 = arith.constant 0 : i32
      %dma_wait3A_42 = tpu.memref_slice %arg4[%add3A_28, %dma_wait3A_41] : memref<100000x1024xf32, #tpu.memory_space<any>> -> memref<512x1024xf32, #tpu.memory_space<any>>
      %dma_wait3A_43 = arith.constant 0 : i32
      %dma_wait3A_44 = arith.constant 0 : i32
      %dma_wait3A_45 = tpu.memref_slice %arg5[%rem3A_0, %dma_wait3A_43, %dma_wait3A_44] : memref<2x3072x1024xf32, #tpu.memory_space<vmem>> -> memref<1x512x1024xf32, #tpu.memory_space<vmem>>
      %dma_wait3A_46 = tpu.memref_squeeze %dma_wait3A_45 : memref<1x512x1024xf32, #tpu.memory_space<vmem>> -> memref<512x1024xf32, #tpu.memory_space<vmem>>
      tpu.wait_dma2 semaphore(%dma_wait3A_40 : memref<!tpu.dma_semaphore, #tpu.memory_space<semaphore_mem>>) src(%dma_wait3A_46 : memref<512x1024xf32, #tpu.memory_space<vmem>>) dst(%dma_wait3A_42 : memref<512x1024xf32, #tpu.memory_space<any>>)
      %dma_wait3A_47 = arith.constant 1 : i32
      %dma_wait3A_48 = tpu.memref_slice %arg6[%rem3A_0, %dma_wait3A_47] : memref<2x6x!tpu.dma_semaphore, #tpu.memory_space<semaphore_mem>> -> memref<1x1x!tpu.dma_semaphore, #tpu.memory_space<semaphore_mem>>
      %dma_wait3A_49 = tpu.memref_squeeze %dma_wait3A_48 : memref<1x1x!tpu.dma_semaphore, #tpu.memory_space<semaphore_mem>> -> memref<!tpu.dma_semaphore, #tpu.memory_space<semaphore_mem>>
      %dma_wait3A_50 = arith.constant 0 : i32
      %dma_wait3A_51 = tpu.memref_slice %arg4[%add3A_30, %dma_wait3A_50] : memref<100000x1024xf32, #tpu.memory_space<any>> -> memref<512x1024xf32, #tpu.memory_space<any>>
      %dma_wait3A_52 = arith.constant 512 : i32
      %dma_wait3A_53 = arith.constant 0 : i32
      %dma_wait3A_54 = tpu.memref_slice %arg5[%rem3A_0, %dma_wait3A_52, %dma_wait3A_53] : memref<2x3072x1024xf32, #tpu.memory_space<vmem>> -> memref<1x512x1024xf32, #tpu.memory_space<vmem>>
      %dma_wait3A_55 = tpu.memref_squeeze %dma_wait3A_54 : memref<1x512x1024xf32, #tpu.memory_space<vmem>> -> memref<512x1024xf32, #tpu.memory_space<vmem>>
      tpu.wait_dma2 semaphore(%dma_wait3A_49 : memref<!tpu.dma_semaphore, #tpu.memory_space<semaphore_mem>>) src(%dma_wait3A_55 : memref<512x1024xf32, #tpu.memory_space<vmem>>) dst(%dma_wait3A_51 : memref<512x1024xf32, #tpu.memory_space<any>>)
      %dma_wait3A_56 = arith.constant 2 : i32
      %dma_wait3A_57 = tpu.memref_slice %arg6[%rem3A_0, %dma_wait3A_56] : memref<2x6x!tpu.dma_semaphore, #tpu.memory_space<semaphore_mem>> -> memref<1x1x!tpu.dma_semaphore, #tpu.memory_space<semaphore_mem>>
      %dma_wait3A_58 = tpu.memref_squeeze %dma_wait3A_57 : memref<1x1x!tpu.dma_semaphore, #tpu.memory_space<semaphore_mem>> -> memref<!tpu.dma_semaphore, #tpu.memory_space<semaphore_mem>>
      %dma_wait3A_59 = arith.constant 0 : i32
      %dma_wait3A_60 = tpu.memref_slice %arg4[%add3A_32, %dma_wait3A_59] : memref<100000x1024xf32, #tpu.memory_space<any>> -> memref<512x1024xf32, #tpu.memory_space<any>>
      %dma_wait3A_61 = arith.constant 1024 : i32
      %dma_wait3A_62 = arith.constant 0 : i32
      %dma_wait3A_63 = tpu.memref_slice %arg5[%rem3A_0, %dma_wait3A_61, %dma_wait3A_62] : memref<2x3072x1024xf32, #tpu.memory_space<vmem>> -> memref<1x512x1024xf32, #tpu.memory_space<vmem>>
      %dma_wait3A_64 = tpu.memref_squeeze %dma_wait3A_63 : memref<1x512x1024xf32, #tpu.memory_space<vmem>> -> memref<512x1024xf32, #tpu.memory_space<vmem>>
      tpu.wait_dma2 semaphore(%dma_wait3A_58 : memref<!tpu.dma_semaphore, #tpu.memory_space<semaphore_mem>>) src(%dma_wait3A_64 : memref<512x1024xf32, #tpu.memory_space<vmem>>) dst(%dma_wait3A_60 : memref<512x1024xf32, #tpu.memory_space<any>>)
      %dma_wait3A_65 = arith.constant 3 : i32
      %dma_wait3A_66 = tpu.memref_slice %arg6[%rem3A_0, %dma_wait3A_65] : memref<2x6x!tpu.dma_semaphore, #tpu.memory_space<semaphore_mem>> -> memref<1x1x!tpu.dma_semaphore, #tpu.memory_space<semaphore_mem>>
      %dma_wait3A_67 = tpu.memref_squeeze %dma_wait3A_66 : memref<1x1x!tpu.dma_semaphore, #tpu.memory_space<semaphore_mem>> -> memref<!tpu.dma_semaphore, #tpu.memory_space<semaphore_mem>>
      %dma_wait3A_68 = arith.constant 0 : i32
      %dma_wait3A_69 = tpu.memref_slice %arg4[%add3A_34, %dma_wait3A_68] : memref<100000x1024xf32, #tpu.memory_space<any>> -> memref<512x1024xf32, #tpu.memory_space<any>>
      %dma_wait3A_70 = arith.constant 1536 : i32
      %dma_wait3A_71 = arith.constant 0 : i32
      %dma_wait3A_72 = tpu.memref_slice %arg5[%rem3A_0, %dma_wait3A_70, %dma_wait3A_71] : memref<2x3072x1024xf32, #tpu.memory_space<vmem>> -> memref<1x512x1024xf32, #tpu.memory_space<vmem>>
      %dma_wait3A_73 = tpu.memref_squeeze %dma_wait3A_72 : memref<1x512x1024xf32, #tpu.memory_space<vmem>> -> memref<512x1024xf32, #tpu.memory_space<vmem>>
      tpu.wait_dma2 semaphore(%dma_wait3A_67 : memref<!tpu.dma_semaphore, #tpu.memory_space<semaphore_mem>>) src(%dma_wait3A_73 : memref<512x1024xf32, #tpu.memory_space<vmem>>) dst(%dma_wait3A_69 : memref<512x1024xf32, #tpu.memory_space<any>>)
      %dma_wait3A_74 = arith.constant 4 : i32
      %dma_wait3A_75 = tpu.memref_slice %arg6[%rem3A_0, %dma_wait3A_74] : memref<2x6x!tpu.dma_semaphore, #tpu.memory_space<semaphore_mem>> -> memref<1x1x!tpu.dma_semaphore, #tpu.memory_space<semaphore_mem>>
      %dma_wait3A_76 = tpu.memref_squeeze %dma_wait3A_75 : memref<1x1x!tpu.dma_semaphore, #tpu.memory_space<semaphore_mem>> -> memref<!tpu.dma_semaphore, #tpu.memory_space<semaphore_mem>>
      %dma_wait3A_77 = arith.constant 0 : i32
      %dma_wait3A_78 = tpu.memref_slice %arg4[%add3A_36, %dma_wait3A_77] : memref<100000x1024xf32, #tpu.memory_space<any>> -> memref<512x1024xf32, #tpu.memory_space<any>>
      %dma_wait3A_79 = arith.constant 2048 : i32
      %dma_wait3A_80 = arith.constant 0 : i32
      %dma_wait3A_81 = tpu.memref_slice %arg5[%rem3A_0, %dma_wait3A_79, %dma_wait3A_80] : memref<2x3072x1024xf32, #tpu.memory_space<vmem>> -> memref<1x512x1024xf32, #tpu.memory_space<vmem>>
      %dma_wait3A_82 = tpu.memref_squeeze %dma_wait3A_81 : memref<1x512x1024xf32, #tpu.memory_space<vmem>> -> memref<512x1024xf32, #tpu.memory_space<vmem>>
      tpu.wait_dma2 semaphore(%dma_wait3A_76 : memref<!tpu.dma_semaphore, #tpu.memory_space<semaphore_mem>>) src(%dma_wait3A_82 : memref<512x1024xf32, #tpu.memory_space<vmem>>) dst(%dma_wait3A_78 : memref<512x1024xf32, #tpu.memory_space<any>>)
      %dma_wait3A_83 = arith.constant 5 : i32
      %dma_wait3A_84 = tpu.memref_slice %arg6[%rem3A_0, %dma_wait3A_83] : memref<2x6x!tpu.dma_semaphore, #tpu.memory_space<semaphore_mem>> -> memref<1x1x!tpu.dma_semaphore, #tpu.memory_space<semaphore_mem>>
      %dma_wait3A_85 = tpu.memref_squeeze %dma_wait3A_84 : memref<1x1x!tpu.dma_semaphore, #tpu.memory_space<semaphore_mem>> -> memref<!tpu.dma_semaphore, #tpu.memory_space<semaphore_mem>>
      %dma_wait3A_86 = arith.constant 0 : i32
      %dma_wait3A_87 = tpu.memref_slice %arg4[%add3A_38, %dma_wait3A_86] : memref<100000x1024xf32, #tpu.memory_space<any>> -> memref<512x1024xf32, #tpu.memory_space<any>>
      %dma_wait3A_88 = arith.constant 2560 : i32
      %dma_wait3A_89 = arith.constant 0 : i32
      %dma_wait3A_90 = tpu.memref_slice %arg5[%rem3A_0, %dma_wait3A_88, %dma_wait3A_89] : memref<2x3072x1024xf32, #tpu.memory_space<vmem>> -> memref<1x512x1024xf32, #tpu.memory_space<vmem>>
      %dma_wait3A_91 = tpu.memref_squeeze %dma_wait3A_90 : memref<1x512x1024xf32, #tpu.memory_space<vmem>> -> memref<512x1024xf32, #tpu.memory_space<vmem>>
      tpu.wait_dma2 semaphore(%dma_wait3A_85 : memref<!tpu.dma_semaphore, #tpu.memory_space<semaphore_mem>>) src(%dma_wait3A_91 : memref<512x1024xf32, #tpu.memory_space<vmem>>) dst(%dma_wait3A_87 : memref<512x1024xf32, #tpu.memory_space<any>>)
    } else {
    }
    %get3A = arith.constant 0 : index
    %get3A_3 = arith.constant 0 : index
    %get3A_4 = vector.load %arg2[%get3A, %get3A_3] : memref<64x3072xf32, #tpu.memory_space<vmem>>, vector<64x3072xf32>
    %get3A_5 = arith.constant 0 : index
    %get3A_6 = arith.constant 0 : index
    %get3A_7 = vector.load %arg1[%get3A_5, %get3A_6] : memref<64x1024xf32, #tpu.memory_space<vmem>>, vector<64x1024xf32>
    %dot_general3A = arith.constant dense<0.000000e+00> : vector<3072x1024xf32>
    %dot_general3A_8 = tpu.matmul %get3A_4, %get3A_7, %dot_general3A {dimension_numbers = #tpu.dot_dimension_numbers<[0], [0], [1], [1], [0, 1, 1, 1], [], []>, transpose_lhs_hint = false} : vector<64x3072xf32>, vector<64x1024xf32>, vector<3072x1024xf32> -> vector<3072x1024xf32>
    %get3A_9 = arith.constant 0 : index
    %get3A_10 = vector.load %arg3[%get3A_9] : memref<3072xf32, #tpu.memory_space<vmem>>, vector<3072xf32>
    %reshape3A = vector.shape_cast %get3A_10 : vector<3072xf32> to vector<3072x1xf32>
    %add3A = vector.broadcast %reshape3A : vector<3072x1xf32> to vector<3072x1024xf32>
    %add3A_11 = arith.addf %dot_general3A_8, %add3A : vector<3072x1024xf32>
    %swap3A = arith.index_cast %rem3A_0 : i32 to index
    %swap3A_12 = arith.constant 0 : index
    %swap3A_13 = arith.constant 0 : index
    %swap3A_14 = vector.load %arg5[%swap3A, %swap3A_12, %swap3A_13] : memref<2x3072x1024xf32, #tpu.memory_space<vmem>>, vector<1x3072x1024xf32>
    %swap3A_15 = vector.shape_cast %swap3A_14 : vector<1x3072x1024xf32> to vector<3072x1024xf32>
    %swap3A_16 = vector.shape_cast %add3A_11 : vector<3072x1024xf32> to vector<1x3072x1024xf32>
    tpu.vector_store %arg5[%swap3A, %swap3A_12, %swap3A_13], %swap3A_16 {strides = array<i32>} : memref<2x3072x1024xf32, #tpu.memory_space<vmem>>, vector<1x3072x1024xf32>,
    %lt3A = arith.constant 32 : i32
    %lt3A_17 = arith.cmpi slt, %arg0, %lt3A : i32
    %convert_element_type3A_18 = arith.extui %lt3A_17 : i1 to i32
    %cond3A_19 = arith.constant 0 : i32
    %cond3A_20 = arith.cmpi ne, %convert_element_type3A_18, %cond3A_19 : i32
    scf.if %cond3A_20 {
      %mul3A = arith.constant 3072 : i32
      %mul3A_25 = arith.muli %arg0, %mul3A : i32
      %add3A_26 = arith.constant 0 : i32
      %add3A_27 = arith.addi %mul3A_25, %add3A_26 : i32
      %add3A_28 = arith.constant 512 : i32
      %add3A_29 = arith.addi %mul3A_25, %add3A_28 : i32
      %add3A_30 = arith.constant 1024 : i32
      %add3A_31 = arith.addi %mul3A_25, %add3A_30 : i32
      %add3A_32 = arith.constant 1536 : i32
      %add3A_33 = arith.addi %mul3A_25, %add3A_32 : i32
      %add3A_34 = arith.constant 2048 : i32
      %add3A_35 = arith.addi %mul3A_25, %add3A_34 : i32
      %add3A_36 = arith.constant 2560 : i32
      %add3A_37 = arith.addi %mul3A_25, %add3A_36 : i32
      %dma_start3A = arith.constant 0 : i32
      %dma_start3A_38 = tpu.memref_slice %arg6[%rem3A_0, %dma_start3A] : memref<2x6x!tpu.dma_semaphore, #tpu.memory_space<semaphore_mem>> -> memref<1x1x!tpu.dma_semaphore, #tpu.memory_space<semaphore_mem>>
      %dma_start3A_39 = tpu.memref_squeeze %dma_start3A_38 : memref<1x1x!tpu.dma_semaphore, #tpu.memory_space<semaphore_mem>> -> memref<!tpu.dma_semaphore, #tpu.memory_space<semaphore_mem>>
      %dma_start3A_40 = arith.constant 0 : i32
      %dma_start3A_41 = tpu.memref_slice %arg4[%add3A_27, %dma_start3A_40] : memref<100000x1024xf32, #tpu.memory_space<any>> -> memref<512x1024xf32, #tpu.memory_space<any>>
      %dma_start3A_42 = arith.constant 0 : i32
      %dma_start3A_43 = arith.constant 0 : i32
      %dma_start3A_44 = tpu.memref_slice %arg5[%rem3A_0, %dma_start3A_42, %dma_start3A_43] : memref<2x3072x1024xf32, #tpu.memory_space<vmem>> -> memref<1x512x1024xf32, #tpu.memory_space<vmem>>
      %dma_start3A_45 = tpu.memref_squeeze %dma_start3A_44 : memref<1x512x1024xf32, #tpu.memory_space<vmem>> -> memref<512x1024xf32, #tpu.memory_space<vmem>>
      tpu.enqueue_dma source(%dma_start3A_45 : memref<512x1024xf32, #tpu.memory_space<vmem>>) target(%dma_start3A_41 : memref<512x1024xf32, #tpu.memory_space<any>>) target_semaphore(%dma_start3A_39 : memref<!tpu.dma_semaphore, #tpu.memory_space<semaphore_mem>>)
      %dma_start3A_46 = arith.constant 1 : i32
      %dma_start3A_47 = tpu.memref_slice %arg6[%rem3A_0, %dma_start3A_46] : memref<2x6x!tpu.dma_semaphore, #tpu.memory_space<semaphore_mem>> -> memref<1x1x!tpu.dma_semaphore, #tpu.memory_space<semaphore_mem>>
      %dma_start3A_48 = tpu.memref_squeeze %dma_start3A_47 : memref<1x1x!tpu.dma_semaphore, #tpu.memory_space<semaphore_mem>> -> memref<!tpu.dma_semaphore, #tpu.memory_space<semaphore_mem>>
      %dma_start3A_49 = arith.constant 0 : i32
      %dma_start3A_50 = tpu.memref_slice %arg4[%add3A_29, %dma_start3A_49] : memref<100000x1024xf32, #tpu.memory_space<any>> -> memref<512x1024xf32, #tpu.memory_space<any>>
      %dma_start3A_51 = arith.constant 512 : i32
      %dma_start3A_52 = arith.constant 0 : i32
      %dma_start3A_53 = tpu.memref_slice %arg5[%rem3A_0, %dma_start3A_51, %dma_start3A_52] : memref<2x3072x1024xf32, #tpu.memory_space<vmem>> -> memref<1x512x1024xf32, #tpu.memory_space<vmem>>
      %dma_start3A_54 = tpu.memref_squeeze %dma_start3A_53 : memref<1x512x1024xf32, #tpu.memory_space<vmem>> -> memref<512x1024xf32, #tpu.memory_space<vmem>>
      tpu.enqueue_dma source(%dma_start3A_54 : memref<512x1024xf32, #tpu.memory_space<vmem>>) target(%dma_start3A_50 : memref<512x1024xf32, #tpu.memory_space<any>>) target_semaphore(%dma_start3A_48 : memref<!tpu.dma_semaphore, #tpu.memory_space<semaphore_mem>>)
      %dma_start3A_55 = arith.constant 2 : i32
      %dma_start3A_56 = tpu.memref_slice %arg6[%rem3A_0, %dma_start3A_55] : memref<2x6x!tpu.dma_semaphore, #tpu.memory_space<semaphore_mem>> -> memref<1x1x!tpu.dma_semaphore, #tpu.memory_space<semaphore_mem>>
      %dma_start3A_57 = tpu.memref_squeeze %dma_start3A_56 : memref<1x1x!tpu.dma_semaphore, #tpu.memory_space<semaphore_mem>> -> memref<!tpu.dma_semaphore, #tpu.memory_space<semaphore_mem>>
      %dma_start3A_58 = arith.constant 0 : i32
      %dma_start3A_59 = tpu.memref_slice %arg4[%add3A_31, %dma_start3A_58] : memref<100000x1024xf32, #tpu.memory_space<any>> -> memref<512x1024xf32, #tpu.memory_space<any>>
      %dma_start3A_60 = arith.constant 1024 : i32
      %dma_start3A_61 = arith.constant 0 : i32
      %dma_start3A_62 = tpu.memref_slice %arg5[%rem3A_0, %dma_start3A_60, %dma_start3A_61] : memref<2x3072x1024xf32, #tpu.memory_space<vmem>> -> memref<1x512x1024xf32, #tpu.memory_space<vmem>>
      %dma_start3A_63 = tpu.memref_squeeze %dma_start3A_62 : memref<1x512x1024xf32, #tpu.memory_space<vmem>> -> memref<512x1024xf32, #tpu.memory_space<vmem>>
      tpu.enqueue_dma source(%dma_start3A_63 : memref<512x1024xf32, #tpu.memory_space<vmem>>) target(%dma_start3A_59 : memref<512x1024xf32, #tpu.memory_space<any>>) target_semaphore(%dma_start3A_57 : memref<!tpu.dma_semaphore, #tpu.memory_space<semaphore_mem>>)
      %dma_start3A_64 = arith.constant 3 : i32
      %dma_start3A_65 = tpu.memref_slice %arg6[%rem3A_0, %dma_start3A_64] : memref<2x6x!tpu.dma_semaphore, #tpu.memory_space<semaphore_mem>> -> memref<1x1x!tpu.dma_semaphore, #tpu.memory_space<semaphore_mem>>
      %dma_start3A_66 = tpu.memref_squeeze %dma_start3A_65 : memref<1x1x!tpu.dma_semaphore, #tpu.memory_space<semaphore_mem>> -> memref<!tpu.dma_semaphore, #tpu.memory_space<semaphore_mem>>
      %dma_start3A_67 = arith.constant 0 : i32
      %dma_start3A_68 = tpu.memref_slice %arg4[%add3A_33, %dma_start3A_67] : memref<100000x1024xf32, #tpu.memory_space<any>> -> memref<512x1024xf32, #tpu.memory_space<any>>
      %dma_start3A_69 = arith.constant 1536 : i32
      %dma_start3A_70 = arith.constant 0 : i32
      %dma_start3A_71 = tpu.memref_slice %arg5[%rem3A_0, %dma_start3A_69, %dma_start3A_70] : memref<2x3072x1024xf32, #tpu.memory_space<vmem>> -> memref<1x512x1024xf32, #tpu.memory_space<vmem>>
      %dma_start3A_72 = tpu.memref_squeeze %dma_start3A_71 : memref<1x512x1024xf32, #tpu.memory_space<vmem>> -> memref<512x1024xf32, #tpu.memory_space<vmem>>
      tpu.enqueue_dma source(%dma_start3A_72 : memref<512x1024xf32, #tpu.memory_space<vmem>>) target(%dma_start3A_68 : memref<512x1024xf32, #tpu.memory_space<any>>) target_semaphore(%dma_start3A_66 : memref<!tpu.dma_semaphore, #tpu.memory_space<semaphore_mem>>)
      %dma_start3A_73 = arith.constant 4 : i32
      %dma_start3A_74 = tpu.memref_slice %arg6[%rem3A_0, %dma_start3A_73] : memref<2x6x!tpu.dma_semaphore, #tpu.memory_space<semaphore_mem>> -> memref<1x1x!tpu.dma_semaphore, #tpu.memory_space<semaphore_mem>>
      %dma_start3A_75 = tpu.memref_squeeze %dma_start3A_74 : memref<1x1x!tpu.dma_semaphore, #tpu.memory_space<semaphore_mem>> -> memref<!tpu.dma_semaphore, #tpu.memory_space<semaphore_mem>>
      %dma_start3A_76 = arith.constant 0 : i32
      %dma_start3A_77 = tpu.memref_slice %arg4[%add3A_35, %dma_start3A_76] : memref<100000x1024xf32, #tpu.memory_space<any>> -> memref<512x1024xf32, #tpu.memory_space<any>>
      %dma_start3A_78 = arith.constant 2048 : i32
      %dma_start3A_79 = arith.constant 0 : i32
      %dma_start3A_80 = tpu.memref_slice %arg5[%rem3A_0, %dma_start3A_78, %dma_start3A_79] : memref<2x3072x1024xf32, #tpu.memory_space<vmem>> -> memref<1x512x1024xf32, #tpu.memory_space<vmem>>
      %dma_start3A_81 = tpu.memref_squeeze %dma_start3A_80 : memref<1x512x1024xf32, #tpu.memory_space<vmem>> -> memref<512x1024xf32, #tpu.memory_space<vmem>>
      tpu.enqueue_dma source(%dma_start3A_81 : memref<512x1024xf32, #tpu.memory_space<vmem>>) target(%dma_start3A_77 : memref<512x1024xf32, #tpu.memory_space<any>>) target_semaphore(%dma_start3A_75 : memref<!tpu.dma_semaphore, #tpu.memory_space<semaphore_mem>>)
      %dma_start3A_82 = arith.constant 5 : i32
      %dma_start3A_83 = tpu.memref_slice %arg6[%rem3A_0, %dma_start3A_82] : memref<2x6x!tpu.dma_semaphore, #tpu.memory_space<semaphore_mem>> -> memref<1x1x!tpu.dma_semaphore, #tpu.memory_space<semaphore_mem>>
      %dma_start3A_84 = tpu.memref_squeeze %dma_start3A_83 : memref<1x1x!tpu.dma_semaphore, #tpu.memory_space<semaphore_mem>> -> memref<!tpu.dma_semaphore, #tpu.memory_space<semaphore_mem>>
      %dma_start3A_85 = arith.constant 0 : i32
      %dma_start3A_86 = tpu.memref_slice %arg4[%add3A_37, %dma_start3A_85] : memref<100000x1024xf32, #tpu.memory_space<any>> -> memref<512x1024xf32, #tpu.memory_space<any>>
      %dma_start3A_87 = arith.constant 2560 : i32
      %dma_start3A_88 = arith.constant 0 : i32
      %dma_start3A_89 = tpu.memref_slice %arg5[%rem3A_0, %dma_start3A_87, %dma_start3A_88] : memref<2x3072x1024xf32, #tpu.memory_space<vmem>> -> memref<1x512x1024xf32, #tpu.memory_space<vmem>>
      %dma_start3A_90 = tpu.memref_squeeze %dma_start3A_89 : memref<1x512x1024xf32, #tpu.memory_space<vmem>> -> memref<512x1024xf32, #tpu.memory_space<vmem>>
      tpu.enqueue_dma source(%dma_start3A_90 : memref<512x1024xf32, #tpu.memory_space<vmem>>) target(%dma_start3A_86 : memref<512x1024xf32, #tpu.memory_space<any>>) target_semaphore(%dma_start3A_84 : memref<!tpu.dma_semaphore, #tpu.memory_space<semaphore_mem>>)
    } else {
    }
    %eq3A = arith.constant 32 : i32
    %eq3A_21 = arith.cmpi eq, %arg0, %eq3A : i32
    %convert_element_type3A_22 = arith.extui %eq3A_21 : i1 to i32
    %cond3A_23 = arith.constant 0 : i32
    %cond3A_24 = arith.cmpi ne, %convert_element_type3A_22, %cond3A_23 : i32
    scf.if %cond3A_24 {
      %dma_start3A = arith.constant 0 : i32
      %dma_start3A_25 = tpu.memref_slice %arg6[%rem3A_0, %dma_start3A] : memref<2x6x!tpu.dma_semaphore, #tpu.memory_space<semaphore_mem>> -> memref<1x1x!tpu.dma_semaphore, #tpu.memory_space<semaphore_mem>>
      %dma_start3A_26 = tpu.memref_squeeze %dma_start3A_25 : memref<1x1x!tpu.dma_semaphore, #tpu.memory_space<semaphore_mem>> -> memref<!tpu.dma_semaphore, #tpu.memory_space<semaphore_mem>>
      %dma_start3A_27 = arith.constant 98304 : i32
      %dma_start3A_28 = arith.constant 0 : i32
      %dma_start3A_29 = tpu.memref_slice %arg4[%dma_start3A_27, %dma_start3A_28] : memref<100000x1024xf32, #tpu.memory_space<any>> -> memref<512x1024xf32, #tpu.memory_space<any>>
      %dma_start3A_30 = arith.constant 0 : i32
      %dma_start3A_31 = arith.constant 0 : i32
      %dma_start3A_32 = tpu.memref_slice %arg5[%rem3A_0, %dma_start3A_30, %dma_start3A_31] : memref<2x3072x1024xf32, #tpu.memory_space<vmem>> -> memref<1x512x1024xf32, #tpu.memory_space<vmem>>
      %dma_start3A_33 = tpu.memref_squeeze %dma_start3A_32 : memref<1x512x1024xf32, #tpu.memory_space<vmem>> -> memref<512x1024xf32, #tpu.memory_space<vmem>>
      tpu.enqueue_dma source(%dma_start3A_33 : memref<512x1024xf32, #tpu.memory_space<vmem>>) target(%dma_start3A_29 : memref<512x1024xf32, #tpu.memory_space<any>>) target_semaphore(%dma_start3A_26 : memref<!tpu.dma_semaphore, #tpu.memory_space<semaphore_mem>>)
      %dma_start3A_34 = arith.constant 1 : i32
      %dma_start3A_35 = tpu.memref_slice %arg6[%rem3A_0, %dma_start3A_34] : memref<2x6x!tpu.dma_semaphore, #tpu.memory_space<semaphore_mem>> -> memref<1x1x!tpu.dma_semaphore, #tpu.memory_space<semaphore_mem>>
      %dma_start3A_36 = tpu.memref_squeeze %dma_start3A_35 : memref<1x1x!tpu.dma_semaphore, #tpu.memory_space<semaphore_mem>> -> memref<!tpu.dma_semaphore, #tpu.memory_space<semaphore_mem>>
      %dma_start3A_37 = arith.constant 98816 : i32
      %dma_start3A_38 = arith.constant 0 : i32
      %dma_start3A_39 = tpu.memref_slice %arg4[%dma_start3A_37, %dma_start3A_38] : memref<100000x1024xf32, #tpu.memory_space<any>> -> memref<512x1024xf32, #tpu.memory_space<any>>
      %dma_start3A_40 = arith.constant 512 : i32
      %dma_start3A_41 = arith.constant 0 : i32
      %dma_start3A_42 = tpu.memref_slice %arg5[%rem3A_0, %dma_start3A_40, %dma_start3A_41] : memref<2x3072x1024xf32, #tpu.memory_space<vmem>> -> memref<1x512x1024xf32, #tpu.memory_space<vmem>>
      %dma_start3A_43 = tpu.memref_squeeze %dma_start3A_42 : memref<1x512x1024xf32, #tpu.memory_space<vmem>> -> memref<512x1024xf32, #tpu.memory_space<vmem>>
      tpu.enqueue_dma source(%dma_start3A_43 : memref<512x1024xf32, #tpu.memory_space<vmem>>) target(%dma_start3A_39 : memref<512x1024xf32, #tpu.memory_space<any>>) target_semaphore(%dma_start3A_36 : memref<!tpu.dma_semaphore, #tpu.memory_space<semaphore_mem>>)
      %dma_start3A_44 = arith.constant 2 : i32
      %dma_start3A_45 = tpu.memref_slice %arg6[%rem3A_0, %dma_start3A_44] : memref<2x6x!tpu.dma_semaphore, #tpu.memory_space<semaphore_mem>> -> memref<1x1x!tpu.dma_semaphore, #tpu.memory_space<semaphore_mem>>
      %dma_start3A_46 = tpu.memref_squeeze %dma_start3A_45 : memref<1x1x!tpu.dma_semaphore, #tpu.memory_space<semaphore_mem>> -> memref<!tpu.dma_semaphore, #tpu.memory_space<semaphore_mem>>
      %dma_start3A_47 = arith.constant 99328 : i32
      %dma_start3A_48 = arith.constant 0 : i32
      %dma_start3A_49 = tpu.memref_slice %arg4[%dma_start3A_47, %dma_start3A_48] : memref<100000x1024xf32, #tpu.memory_space<any>> -> memref<512x1024xf32, #tpu.memory_space<any>>
      %dma_start3A_50 = arith.constant 1024 : i32
      %dma_start3A_51 = arith.constant 0 : i32
      %dma_start3A_52 = tpu.memref_slice %arg5[%rem3A_0, %dma_start3A_50, %dma_start3A_51] : memref<2x3072x1024xf32, #tpu.memory_space<vmem>> -> memref<1x512x1024xf32, #tpu.memory_space<vmem>>
      %dma_start3A_53 = tpu.memref_squeeze %dma_start3A_52 : memref<1x512x1024xf32, #tpu.memory_space<vmem>> -> memref<512x1024xf32, #tpu.memory_space<vmem>>
      tpu.enqueue_dma source(%dma_start3A_53 : memref<512x1024xf32, #tpu.memory_space<vmem>>) target(%dma_start3A_49 : memref<512x1024xf32, #tpu.memory_space<any>>) target_semaphore(%dma_start3A_46 : memref<!tpu.dma_semaphore, #tpu.memory_space<semaphore_mem>>)
      %dma_start3A_54 = arith.constant 3 : i32
      %dma_start3A_55 = tpu.memref_slice %arg6[%rem3A_0, %dma_start3A_54] : memref<2x6x!tpu.dma_semaphore, #tpu.memory_space<semaphore_mem>> -> memref<1x1x!tpu.dma_semaphore, #tpu.memory_space<semaphore_mem>>
      %dma_start3A_56 = tpu.memref_squeeze %dma_start3A_55 : memref<1x1x!tpu.dma_semaphore, #tpu.memory_space<semaphore_mem>> -> memref<!tpu.dma_semaphore, #tpu.memory_space<semaphore_mem>>
      %dma_start3A_57 = arith.constant 99840 : i32
      %dma_start3A_58 = arith.constant 0 : i32
      %dma_start3A_59 = tpu.memref_slice %arg4[%dma_start3A_57, %dma_start3A_58] : memref<100000x1024xf32, #tpu.memory_space<any>> -> memref<160x1024xf32, #tpu.memory_space<any>>
      %dma_start3A_60 = arith.constant 1536 : i32
      %dma_start3A_61 = arith.constant 0 : i32
      %dma_start3A_62 = tpu.memref_slice %arg5[%rem3A_0, %dma_start3A_60, %dma_start3A_61] : memref<2x3072x1024xf32, #tpu.memory_space<vmem>> -> memref<1x160x1024xf32, #tpu.memory_space<vmem>>
      %dma_start3A_63 = tpu.memref_squeeze %dma_start3A_62 : memref<1x160x1024xf32, #tpu.memory_space<vmem>> -> memref<160x1024xf32, #tpu.memory_space<vmem>>
      tpu.enqueue_dma source(%dma_start3A_63 : memref<160x1024xf32, #tpu.memory_space<vmem>>) target(%dma_start3A_59 : memref<160x1024xf32, #tpu.memory_space<any>>) target_semaphore(%dma_start3A_56 : memref<!tpu.dma_semaphore, #tpu.memory_space<semaphore_mem>>)
      %dma_wait3A = arith.constant 1 : i32
      %dma_wait3A_64 = arith.constant 1 : i32
      %dma_wait3A_65 = arith.constant 0 : i32
      %dma_wait3A_66 = tpu.memref_slice %arg6[%dma_wait3A_64, %dma_wait3A_65] : memref<2x6x!tpu.dma_semaphore, #tpu.memory_space<semaphore_mem>> -> memref<1x1x!tpu.dma_semaphore, #tpu.memory_space<semaphore_mem>>
      %dma_wait3A_67 = tpu.memref_squeeze %dma_wait3A_66 : memref<1x1x!tpu.dma_semaphore, #tpu.memory_space<semaphore_mem>> -> memref<!tpu.dma_semaphore, #tpu.memory_space<semaphore_mem>>
      %dma_wait3A_68 = arith.constant 95232 : i32
      %dma_wait3A_69 = arith.constant 0 : i32
      %dma_wait3A_70 = tpu.memref_slice %arg4[%dma_wait3A_68, %dma_wait3A_69] : memref<100000x1024xf32, #tpu.memory_space<any>> -> memref<512x1024xf32, #tpu.memory_space<any>>
      %dma_wait3A_71 = arith.constant 0 : i32
      %dma_wait3A_72 = arith.constant 0 : i32
      %dma_wait3A_73 = tpu.memref_slice %arg5[%dma_wait3A, %dma_wait3A_71, %dma_wait3A_72] : memref<2x3072x1024xf32, #tpu.memory_space<vmem>> -> memref<1x512x1024xf32, #tpu.memory_space<vmem>>
      %dma_wait3A_74 = tpu.memref_squeeze %dma_wait3A_73 : memref<1x512x1024xf32, #tpu.memory_space<vmem>> -> memref<512x1024xf32, #tpu.memory_space<vmem>>
      tpu.wait_dma2 semaphore(%dma_wait3A_67 : memref<!tpu.dma_semaphore, #tpu.memory_space<semaphore_mem>>) src(%dma_wait3A_74 : memref<512x1024xf32, #tpu.memory_space<vmem>>) dst(%dma_wait3A_70 : memref<512x1024xf32, #tpu.memory_space<any>>)
      %dma_wait3A_75 = arith.constant 1 : i32
      %dma_wait3A_76 = arith.constant 1 : i32
      %dma_wait3A_77 = arith.constant 1 : i32
      %dma_wait3A_78 = tpu.memref_slice %arg6[%dma_wait3A_76, %dma_wait3A_77] : memref<2x6x!tpu.dma_semaphore, #tpu.memory_space<semaphore_mem>> -> memref<1x1x!tpu.dma_semaphore, #tpu.memory_space<semaphore_mem>>
      %dma_wait3A_79 = tpu.memref_squeeze %dma_wait3A_78 : memref<1x1x!tpu.dma_semaphore, #tpu.memory_space<semaphore_mem>> -> memref<!tpu.dma_semaphore, #tpu.memory_space<semaphore_mem>>
      %dma_wait3A_80 = arith.constant 95744 : i32
      %dma_wait3A_81 = arith.constant 0 : i32
      %dma_wait3A_82 = tpu.memref_slice %arg4[%dma_wait3A_80, %dma_wait3A_81] : memref<100000x1024xf32, #tpu.memory_space<any>> -> memref<512x1024xf32, #tpu.memory_space<any>>
      %dma_wait3A_83 = arith.constant 512 : i32
      %dma_wait3A_84 = arith.constant 0 : i32
      %dma_wait3A_85 = tpu.memref_slice %arg5[%dma_wait3A_75, %dma_wait3A_83, %dma_wait3A_84] : memref<2x3072x1024xf32, #tpu.memory_space<vmem>> -> memref<1x512x1024xf32, #tpu.memory_space<vmem>>
      %dma_wait3A_86 = tpu.memref_squeeze %dma_wait3A_85 : memref<1x512x1024xf32, #tpu.memory_space<vmem>> -> memref<512x1024xf32, #tpu.memory_space<vmem>>
      tpu.wait_dma2 semaphore(%dma_wait3A_79 : memref<!tpu.dma_semaphore, #tpu.memory_space<semaphore_mem>>) src(%dma_wait3A_86 : memref<512x1024xf32, #tpu.memory_space<vmem>>) dst(%dma_wait3A_82 : memref<512x1024xf32, #tpu.memory_space<any>>)
      %dma_wait3A_87 = arith.constant 1 : i32
      %dma_wait3A_88 = arith.constant 1 : i32
      %dma_wait3A_89 = arith.constant 2 : i32
      %dma_wait3A_90 = tpu.memref_slice %arg6[%dma_wait3A_88, %dma_wait3A_89] : memref<2x6x!tpu.dma_semaphore, #tpu.memory_space<semaphore_mem>> -> memref<1x1x!tpu.dma_semaphore, #tpu.memory_space<semaphore_mem>>
      %dma_wait3A_91 = tpu.memref_squeeze %dma_wait3A_90 : memref<1x1x!tpu.dma_semaphore, #tpu.memory_space<semaphore_mem>> -> memref<!tpu.dma_semaphore, #tpu.memory_space<semaphore_mem>>
      %dma_wait3A_92 = arith.constant 96256 : i32
      %dma_wait3A_93 = arith.constant 0 : i32
      %dma_wait3A_94 = tpu.memref_slice %arg4[%dma_wait3A_92, %dma_wait3A_93] : memref<100000x1024xf32, #tpu.memory_space<any>> -> memref<512x1024xf32, #tpu.memory_space<any>>
      %dma_wait3A_95 = arith.constant 1024 : i32
      %dma_wait3A_96 = arith.constant 0 : i32
      %dma_wait3A_97 = tpu.memref_slice %arg5[%dma_wait3A_87, %dma_wait3A_95, %dma_wait3A_96] : memref<2x3072x1024xf32, #tpu.memory_space<vmem>> -> memref<1x512x1024xf32, #tpu.memory_space<vmem>>
      %dma_wait3A_98 = tpu.memref_squeeze %dma_wait3A_97 : memref<1x512x1024xf32, #tpu.memory_space<vmem>> -> memref<512x1024xf32, #tpu.memory_space<vmem>>
      tpu.wait_dma2 semaphore(%dma_wait3A_91 : memref<!tpu.dma_semaphore, #tpu.memory_space<semaphore_mem>>) src(%dma_wait3A_98 : memref<512x1024xf32, #tpu.memory_space<vmem>>) dst(%dma_wait3A_94 : memref<512x1024xf32, #tpu.memory_space<any>>)
      %dma_wait3A_99 = arith.constant 1 : i32
      %dma_wait3A_100 = arith.constant 1 : i32
      %dma_wait3A_101 = arith.constant 3 : i32
      %dma_wait3A_102 = tpu.memref_slice %arg6[%dma_wait3A_100, %dma_wait3A_101] : memref<2x6x!tpu.dma_semaphore, #tpu.memory_space<semaphore_mem>> -> memref<1x1x!tpu.dma_semaphore, #tpu.memory_space<semaphore_mem>>
      %dma_wait3A_103 = tpu.memref_squeeze %dma_wait3A_102 : memref<1x1x!tpu.dma_semaphore, #tpu.memory_space<semaphore_mem>> -> memref<!tpu.dma_semaphore, #tpu.memory_space<semaphore_mem>>
      %dma_wait3A_104 = arith.constant 96768 : i32
      %dma_wait3A_105 = arith.constant 0 : i32
      %dma_wait3A_106 = tpu.memref_slice %arg4[%dma_wait3A_104, %dma_wait3A_105] : memref<100000x1024xf32, #tpu.memory_space<any>> -> memref<512x1024xf32, #tpu.memory_space<any>>
      %dma_wait3A_107 = arith.constant 1536 : i32
      %dma_wait3A_108 = arith.constant 0 : i32
      %dma_wait3A_109 = tpu.memref_slice %arg5[%dma_wait3A_99, %dma_wait3A_107, %dma_wait3A_108] : memref<2x3072x1024xf32, #tpu.memory_space<vmem>> -> memref<1x512x1024xf32, #tpu.memory_space<vmem>>
      %dma_wait3A_110 = tpu.memref_squeeze %dma_wait3A_109 : memref<1x512x1024xf32, #tpu.memory_space<vmem>> -> memref<512x1024xf32, #tpu.memory_space<vmem>>
      tpu.wait_dma2 semaphore(%dma_wait3A_103 : memref<!tpu.dma_semaphore, #tpu.memory_space<semaphore_mem>>) src(%dma_wait3A_110 : memref<512x1024xf32, #tpu.memory_space<vmem>>) dst(%dma_wait3A_106 : memref<512x1024xf32, #tpu.memory_space<any>>)
      %dma_wait3A_111 = arith.constant 1 : i32
      %dma_wait3A_112 = arith.constant 1 : i32
      %dma_wait3A_113 = arith.constant 4 : i32
      %dma_wait3A_114 = tpu.memref_slice %arg6[%dma_wait3A_112, %dma_wait3A_113] : memref<2x6x!tpu.dma_semaphore, #tpu.memory_space<semaphore_mem>> -> memref<1x1x!tpu.dma_semaphore, #tpu.memory_space<semaphore_mem>>
      %dma_wait3A_115 = tpu.memref_squeeze %dma_wait3A_114 : memref<1x1x!tpu.dma_semaphore, #tpu.memory_space<semaphore_mem>> -> memref<!tpu.dma_semaphore, #tpu.memory_space<semaphore_mem>>
      %dma_wait3A_116 = arith.constant 97280 : i32
      %dma_wait3A_117 = arith.constant 0 : i32
      %dma_wait3A_118 = tpu.memref_slice %arg4[%dma_wait3A_116, %dma_wait3A_117] : memref<100000x1024xf32, #tpu.memory_space<any>> -> memref<512x1024xf32, #tpu.memory_space<any>>
      %dma_wait3A_119 = arith.constant 2048 : i32
      %dma_wait3A_120 = arith.constant 0 : i32
      %dma_wait3A_121 = tpu.memref_slice %arg5[%dma_wait3A_111, %dma_wait3A_119, %dma_wait3A_120] : memref<2x3072x1024xf32, #tpu.memory_space<vmem>> -> memref<1x512x1024xf32, #tpu.memory_space<vmem>>
      %dma_wait3A_122 = tpu.memref_squeeze %dma_wait3A_121 : memref<1x512x1024xf32, #tpu.memory_space<vmem>> -> memref<512x1024xf32, #tpu.memory_space<vmem>>
      tpu.wait_dma2 semaphore(%dma_wait3A_115 : memref<!tpu.dma_semaphore, #tpu.memory_space<semaphore_mem>>) src(%dma_wait3A_122 : memref<512x1024xf32, #tpu.memory_space<vmem>>) dst(%dma_wait3A_118 : memref<512x1024xf32, #tpu.memory_space<any>>)
      %dma_wait3A_123 = arith.constant 1 : i32
      %dma_wait3A_124 = arith.constant 1 : i32
      %dma_wait3A_125 = arith.constant 5 : i32
      %dma_wait3A_126 = tpu.memref_slice %arg6[%dma_wait3A_124, %dma_wait3A_125] : memref<2x6x!tpu.dma_semaphore, #tpu.memory_space<semaphore_mem>> -> memref<1x1x!tpu.dma_semaphore, #tpu.memory_space<semaphore_mem>>
      %dma_wait3A_127 = tpu.memref_squeeze %dma_wait3A_126 : memref<1x1x!tpu.dma_semaphore, #tpu.memory_space<semaphore_mem>> -> memref<!tpu.dma_semaphore, #tpu.memory_space<semaphore_mem>>
      %dma_wait3A_128 = arith.constant 97792 : i32
      %dma_wait3A_129 = arith.constant 0 : i32
      %dma_wait3A_130 = tpu.memref_slice %arg4[%dma_wait3A_128, %dma_wait3A_129] : memref<100000x1024xf32, #tpu.memory_space<any>> -> memref<512x1024xf32, #tpu.memory_space<any>>
      %dma_wait3A_131 = arith.constant 2560 : i32
      %dma_wait3A_132 = arith.constant 0 : i32
      %dma_wait3A_133 = tpu.memref_slice %arg5[%dma_wait3A_123, %dma_wait3A_131, %dma_wait3A_132] : memref<2x3072x1024xf32, #tpu.memory_space<vmem>> -> memref<1x512x1024xf32, #tpu.memory_space<vmem>>
      %dma_wait3A_134 = tpu.memref_squeeze %dma_wait3A_133 : memref<1x512x1024xf32, #tpu.memory_space<vmem>> -> memref<512x1024xf32, #tpu.memory_space<vmem>>
      tpu.wait_dma2 semaphore(%dma_wait3A_127 : memref<!tpu.dma_semaphore, #tpu.memory_space<semaphore_mem>>) src(%dma_wait3A_134 : memref<512x1024xf32, #tpu.memory_space<vmem>>) dst(%dma_wait3A_130 : memref<512x1024xf32, #tpu.memory_space<any>>)
      %dma_wait3A_135 = arith.constant 0 : i32
      %dma_wait3A_136 = tpu.memref_slice %arg6[%rem3A_0, %dma_wait3A_135] : memref<2x6x!tpu.dma_semaphore, #tpu.memory_space<semaphore_mem>> -> memref<1x1x!tpu.dma_semaphore, #tpu.memory_space<semaphore_mem>>
      %dma_wait3A_137 = tpu.memref_squeeze %dma_wait3A_136 : memref<1x1x!tpu.dma_semaphore, #tpu.memory_space<semaphore_mem>> -> memref<!tpu.dma_semaphore, #tpu.memory_space<semaphore_mem>>
      %dma_wait3A_138 = arith.constant 98304 : i32
      %dma_wait3A_139 = arith.constant 0 : i32
      %dma_wait3A_140 = tpu.memref_slice %arg4[%dma_wait3A_138, %dma_wait3A_139] : memref<100000x1024xf32, #tpu.memory_space<any>> -> memref<512x1024xf32, #tpu.memory_space<any>>
      %dma_wait3A_141 = arith.constant 0 : i32
      %dma_wait3A_142 = arith.constant 0 : i32
      %dma_wait3A_143 = tpu.memref_slice %arg5[%rem3A_0, %dma_wait3A_141, %dma_wait3A_142] : memref<2x3072x1024xf32, #tpu.memory_space<vmem>> -> memref<1x512x1024xf32, #tpu.memory_space<vmem>>
      %dma_wait3A_144 = tpu.memref_squeeze %dma_wait3A_143 : memref<1x512x1024xf32, #tpu.memory_space<vmem>> -> memref<512x1024xf32, #tpu.memory_space<vmem>>
      tpu.wait_dma2 semaphore(%dma_wait3A_137 : memref<!tpu.dma_semaphore, #tpu.memory_space<semaphore_mem>>) src(%dma_wait3A_144 : memref<512x1024xf32, #tpu.memory_space<vmem>>) dst(%dma_wait3A_140 : memref<512x1024xf32, #tpu.memory_space<any>>)
      %dma_wait3A_145 = arith.constant 1 : i32
      %dma_wait3A_146 = tpu.memref_slice %arg6[%rem3A_0, %dma_wait3A_145] : memref<2x6x!tpu.dma_semaphore, #tpu.memory_space<semaphore_mem>> -> memref<1x1x!tpu.dma_semaphore, #tpu.memory_space<semaphore_mem>>
      %dma_wait3A_147 = tpu.memref_squeeze %dma_wait3A_146 : memref<1x1x!tpu.dma_semaphore, #tpu.memory_space<semaphore_mem>> -> memref<!tpu.dma_semaphore, #tpu.memory_space<semaphore_mem>>
      %dma_wait3A_148 = arith.constant 98816 : i32
      %dma_wait3A_149 = arith.constant 0 : i32
      %dma_wait3A_150 = tpu.memref_slice %arg4[%dma_wait3A_148, %dma_wait3A_149] : memref<100000x1024xf32, #tpu.memory_space<any>> -> memref<512x1024xf32, #tpu.memory_space<any>>
      %dma_wait3A_151 = arith.constant 512 : i32
      %dma_wait3A_152 = arith.constant 0 : i32
      %dma_wait3A_153 = tpu.memref_slice %arg5[%rem3A_0, %dma_wait3A_151, %dma_wait3A_152] : memref<2x3072x1024xf32, #tpu.memory_space<vmem>> -> memref<1x512x1024xf32, #tpu.memory_space<vmem>>
      %dma_wait3A_154 = tpu.memref_squeeze %dma_wait3A_153 : memref<1x512x1024xf32, #tpu.memory_space<vmem>> -> memref<512x1024xf32, #tpu.memory_space<vmem>>
      tpu.wait_dma2 semaphore(%dma_wait3A_147 : memref<!tpu.dma_semaphore, #tpu.memory_space<semaphore_mem>>) src(%dma_wait3A_154 : memref<512x1024xf32, #tpu.memory_space<vmem>>) dst(%dma_wait3A_150 : memref<512x1024xf32, #tpu.memory_space<any>>)
      %dma_wait3A_155 = arith.constant 2 : i32
      %dma_wait3A_156 = tpu.memref_slice %arg6[%rem3A_0, %dma_wait3A_155] : memref<2x6x!tpu.dma_semaphore, #tpu.memory_space<semaphore_mem>> -> memref<1x1x!tpu.dma_semaphore, #tpu.memory_space<semaphore_mem>>
      %dma_wait3A_157 = tpu.memref_squeeze %dma_wait3A_156 : memref<1x1x!tpu.dma_semaphore, #tpu.memory_space<semaphore_mem>> -> memref<!tpu.dma_semaphore, #tpu.memory_space<semaphore_mem>>
      %dma_wait3A_158 = arith.constant 99328 : i32
      %dma_wait3A_159 = arith.constant 0 : i32
      %dma_wait3A_160 = tpu.memref_slice %arg4[%dma_wait3A_158, %dma_wait3A_159] : memref<100000x1024xf32, #tpu.memory_space<any>> -> memref<512x1024xf32, #tpu.memory_space<any>>
      %dma_wait3A_161 = arith.constant 1024 : i32
      %dma_wait3A_162 = arith.constant 0 : i32
      %dma_wait3A_163 = tpu.memref_slice %arg5[%rem3A_0, %dma_wait3A_161, %dma_wait3A_162] : memref<2x3072x1024xf32, #tpu.memory_space<vmem>> -> memref<1x512x1024xf32, #tpu.memory_space<vmem>>
      %dma_wait3A_164 = tpu.memref_squeeze %dma_wait3A_163 : memref<1x512x1024xf32, #tpu.memory_space<vmem>> -> memref<512x1024xf32, #tpu.memory_space<vmem>>
      tpu.wait_dma2 semaphore(%dma_wait3A_157 : memref<!tpu.dma_semaphore, #tpu.memory_space<semaphore_mem>>) src(%dma_wait3A_164 : memref<512x1024xf32, #tpu.memory_space<vmem>>) dst(%dma_wait3A_160 : memref<512x1024xf32, #tpu.memory_space<any>>)
      %dma_wait3A_165 = arith.constant 3 : i32
      %dma_wait3A_166 = tpu.memref_slice %arg6[%rem3A_0, %dma_wait3A_165] : memref<2x6x!tpu.dma_semaphore, #tpu.memory_space<semaphore_mem>> -> memref<1x1x!tpu.dma_semaphore, #tpu.memory_space<semaphore_mem>>
      %dma_wait3A_167 = tpu.memref_squeeze %dma_wait3A_166 : memref<1x1x!tpu.dma_semaphore, #tpu.memory_space<semaphore_mem>> -> memref<!tpu.dma_semaphore, #tpu.memory_space<semaphore_mem>>
      %dma_wait3A_168 = arith.constant 99840 : i32
      %dma_wait3A_169 = arith.constant 0 : i32
      %dma_wait3A_170 = tpu.memref_slice %arg4[%dma_wait3A_168, %dma_wait3A_169] : memref<100000x1024xf32, #tpu.memory_space<any>> -> memref<160x1024xf32, #tpu.memory_space<any>>
      %dma_wait3A_171 = arith.constant 1536 : i32
      %dma_wait3A_172 = arith.constant 0 : i32
      %dma_wait3A_173 = tpu.memref_slice %arg5[%rem3A_0, %dma_wait3A_171, %dma_wait3A_172] : memref<2x3072x1024xf32, #tpu.memory_space<vmem>> -> memref<1x160x1024xf32, #tpu.memory_space<vmem>>
      %dma_wait3A_174 = tpu.memref_squeeze %dma_wait3A_173 : memref<1x160x1024xf32, #tpu.memory_space<vmem>> -> memref<160x1024xf32, #tpu.memory_space<vmem>>
      tpu.wait_dma2 semaphore(%dma_wait3A_167 : memref<!tpu.dma_semaphore, #tpu.memory_space<semaphore_mem>>) src(%dma_wait3A_174 : memref<160x1024xf32, #tpu.memory_space<vmem>>) dst(%dma_wait3A_170 : memref<160x1024xf32, #tpu.memory_space<any>>)
    } else {
    }
    return
  }
  func.func @transform_0(%arg0: i32) -> (i32, i32) {
    %c0_i32 = arith.constant 0 : i32
    %c0_i32_0 = arith.constant 0 : i32
    %c0_i32_1 = arith.constant 0 : i32
    return %c0_i32, %c0_i32_0 : i32, i32
  }
  func.func @transform_1(%arg0: i32) -> (i32, i32) {
    %c0_i32 = arith.constant 0 : i32
    %c0_i32_0 = arith.constant 0 : i32
    return %c0_i32, %arg0 : i32, i32
  }
  func.func @transform_2(%arg0: i32) -> i32 {
    %c0_i32 = arith.constant 0 : i32
    return %arg0 : i32
  }
}

</mosaic_0001>

<sc_bundles>
// kernel: kernel.4.cloned.1.call-start
scs
__scs_entry_jumppad:
0x0: {  	(pc) =	sbr.rel $0x88, $3  }
0x1: {  	(tag) =	ssettag $0x0;
	lr =	simm.s32 $0x1  }
0x2: {  	[smem:$0x3F9D] =	sst lr;
	_ =	strace $0xD0000000  }
0x3: {  	_ = 	snop  }
0x4: {  	_ = 	snop  }
0x5: {  	_ = 	snop  }
0x6: {  	_ = 	snop  }
0x7: {  	_ = 	snop  }
__scs_overlays_trampoline_lowered:
0x8: {  	[smem:$0x3FAC] =	sst s0  }
0x9: {  	[smem:$0x3FAD] =	sst s1  }
0xa: {  	[smem:$0x3FAE] =	sst s2  }
0xb: {  	[smem:$0x3FAF] =	sst s3  }
0xc: {  	[smem:$0x3FB0] =	sst s4  }
0xd: {  	[smem:$0x3FB1] =	sst s5  }
0xe: {  	[smem:$0x3FB2] =	sst s6  }
0xf: {  	[smem:$0x3FB3] =	sst s7  }
0x10: {  	[smem:$0x3FB4] =	sst s8  }
0x11: {  	[smem:$0x3FB5] =	sst s9;
	s0 =	simm.s32 @!p0 $0x0  }
0x12: {  	s1 =	sld [smem:$0x3F9B];
	s0 =	simm.s32 @p0 $0x1  }
0x13: {  	[smem:$0x3FB6] =	sst s0;
	s0 =	simm.s32 @!p1 $0x0  }
0x14: {  	s2 =	sld [smem:$0x3F9A];
	s0 =	simm.s32 @p1 $0x1  }
0x15: {  	[smem:$0x3FB7] =	sst s0;
	s0 =	simm.s32 @!p2 $0x0  }
0x16: {  	s3 =	sld [smem:$0x3FDB];
	s0 =	simm.s32 @p2 $0x1  }
0x17: {  	s4 =	simm.s32 $0x1BF5;
	[smem:$0x3FB9] =	sst s0  }
0x18: {  	s0 =	sld [smem:$0x3F9C];
	_ =	swait.ge [sflag:s4], $0x0  }
0x19: {  	s7 =	sld [smem:$0x3F9D]  }
0x1a: {  	s8 =	sadd.s32 $0xFFFFE003, lr  }
0x1b: {  	s9 =	sadd.s32 $0xFFFFFEF7, lr;
	s5 =	simm.s32 $0xFFFFFFFF;
	p2 =	slt.u32 s8, $0xFFFFF086  }
0x1c: {  	p1 =	slt.u32 s9, $0xF7A;
	s5 =	simm.s32 @!p2 $0x0  }
0x1d: {  	s5 =	simm.s32 @p1 $0x1;
	p0 =	seq.s32 s7, s2  }
0x1e: {  	s7 =	smul.u32 @!p0 $0xF7A, s2;
	p2 =	seq.s32 @!p0 s5, $0x0  }
0x1f: {  	s9 =	smul.u32 $0xF7A, s1;
	s8 =	simm.s32 @!p0 $0x1BF5;
	p2 =	por !p2, p0  }
0x20: {  	[sflag:s8] =	ssyncset.s32 @!p0 $0xFFFFF086;
	s6 =	sadd.s32 @!p0 s3, s7;
	s7 =	simm.s32 @!p0 $0x108  }
0x21: {  	s3 =	sadd.s32 s3, s9;
	s6 =	sadd.s32 @!p0 $0x88, s6;
	s7 =	simm.s32 @p2 $0x1082  }
0x22: {  	[simem:s7], [sflag:s8] =	dma.local @!p0 [hbm:s6], $0xF7A  }
0x23: {  	s9 =	sor.u32 $0xD0000000, s2;
	s6 =	simm.s32 $0x108;
	_ =	swait.ge @!p0 [sflag:s8], $0x0  }
0x24: {  	s3 =	sadd.s32 $0x88, s3;
	s6 =	simm.s32 @!p1 $0x1082;
	[sflag:s4] =	ssyncset.s32 $0xFFFFF086  }
0x25: {  	[simem:s6], [sflag:s4] =	dma.local [hbm:s3], $0xF7A  }
0x26: {  	[smem:$0x3F9D] =	sst s1;
	(tag) =	ssettag s2;
	_ =	strace s9  }
0x27: {  	s1 =	sld [smem:$0x3FAD]  }
0x28: {  	s2 =	sld [smem:$0x3FAE]  }
0x29: {  	s4 =	sld [smem:$0x3FB0]  }
0x2a: {  	p0 =	seq.s32 s5, $0x0;
	s5 =	sld [smem:$0x3FB1]  }
0x2b: {  	s6 =	sld [smem:$0x3FB2]  }
0x2c: {  	s7 =	sld [smem:$0x3FB3]  }
0x2d: {  	s3 =	simm.s32 $0x108;
	s8 =	sld [smem:$0x3FB4]  }
0x2e: {  	s3 =	simm.s32 @!p0 $0x1082;
	s9 =	sld [smem:$0x3FB5]  }
0x2f: {  	lr =	sadd.s32 s0, s3;
	s0 =	sld [smem:$0x3FAC]  }
0x30: {  	s3 =	sld [smem:$0x3FAF]  }
0x31: {  	[smem:$0x3FB8] =	sst s10  }
0x32: {  	s10 =	sld [smem:$0x3FB6];
	_ =	sdelay $0x3  }
0x33: {  	p0 =	seq.s32 s10, $0x1;
	s10 =	sld [smem:$0x3FB8];
	_ =	sdelay $0x3  }
0x34: {  	[smem:$0x3FB8] =	sst s10  }
0x35: {  	s10 =	sld [smem:$0x3FB7];
	_ =	sdelay $0x3  }
0x36: {  	p1 =	seq.s32 s10, $0x1;
	s10 =	sld [smem:$0x3FB8];
	_ =	sdelay $0x3  }
0x37: {  	[smem:$0x3FB8] =	sst s10  }
0x38: {  	s10 =	sld [smem:$0x3FB9]  }
0x39: {  	_ = 	snop;
	(pc) =	sbr.ind lr, $3  }
0x3a: {  	_ = 	snop  }
0x3b: {  	_ = 	snop  }
0x3c: {  	p2 =	seq.s32 s10, $0x1;
	s10 =	sld [smem:$0x3FB8]  }
0x3d: {  	_ =	shalt  }
0x3e: {  	_ =	shalt  }
0x3f: {  	_ =	shalt  }
0x40: {  	_ =	shalt  }
0x41: {  	_ =	shalt  }
0x42: {  	_ =	shalt  }
0x43: {  	_ =	shalt  }
0x44: {  	_ =	shalt  }
0x45: {  	_ =	shalt  }
0x46: {  	_ =	shalt  }
0x47: {  	_ =	shalt  }
0x48: {  	_ =	shalt  }
0x49: {  	_ =	shalt  }
0x4a: {  	_ =	shalt  }
0x4b: {  	_ =	shalt  }
0x4c: {  	_ =	shalt  }
0x4d: {  	_ =	shalt  }
0x4e: {  	_ =	shalt  }
0x4f: {  	_ =	shalt  }
0x50: {  	_ =	shalt  }
0x51: {  	_ =	shalt  }
0x52: {  	_ =	shalt  }
0x53: {  	_ =	shalt  }
0x54: {  	_ =	shalt  }
0x55: {  	_ =	shalt  }
0x56: {  	_ =	shalt  }
0x57: {  	_ =	shalt  }
0x58: {  	_ =	shalt  }
0x59: {  	_ =	shalt  }
0x5a: {  	_ =	shalt  }
0x5b: {  	_ =	shalt  }
0x5c: {  	_ =	shalt  }
0x5d: {  	_ =	shalt  }
0x5e: {  	_ =	shalt  }
0x5f: {  	_ =	shalt  }
0x60: {  	_ =	shalt  }
0x61: {  	_ =	shalt  }
0x62: {  	_ =	shalt  }
0x63: {  	_ =	shalt  }
0x64: {  	_ =	shalt  }
0x65: {  	_ =	shalt  }
0x66: {  	_ =	shalt  }
0x67: {  	_ =	shalt  }
0x68: {  	_ =	shalt  }
0x69: {  	_ =	shalt  }
0x6a: {  	_ =	shalt  }
0x6b: {  	_ =	shalt  }
0x6c: {  	_ =	shalt  }
0x6d: {  	_ =	shalt  }
0x6e: {  	_ =	shalt  }
0x6f: {  	_ =	shalt  }
0x70: {  	_ =	shalt  }
0x71: {  	_ =	shalt  }
0x72: {  	_ =	shalt  }
0x73: {  	_ =	shalt  }
0x74: {  	_ =	shalt  }
0x75: {  	_ =	shalt  }
0x76: {  	_ =	shalt  }
0x77: {  	_ =	shalt  }
0x78: {  	_ =	shalt  }
0x79: {  	_ =	shalt  }
0x7a: {  	_ =	shalt  }
0x7b: {  	_ =	shalt  }
0x7c: {  	_ =	shalt  }
0x7d: {  	_ =	shalt  }
0x7e: {  	_ =	shalt  }
0x7f: {  	_ =	shalt  }
0x80: {  	_ =	shalt  }
0x81: {  	_ =	shalt  }
0x82: {  	_ =	shalt  }
0x83: {  	_ =	shalt  }
0x84: {  	_ =	shalt  }
0x85: {  	_ =	shalt  }
0x86: {  	_ =	shalt  }
0x87: {  	_ =	shalt  }
.Lfunc_end0:
.L_simem_size_0:
called_computation_lowered:
.L_overlay_start_0:
0x88: {  	s2 =	sld [smem:$0x3FD9]  }
0x89: {  	s3 =	sld [smem:$0x3FFE];
	_ =	sdelay $0x1  }
0x8a: {  	s1 =	srdreg.scid  }
0x8b: {  	s0 =	sand.u32 $0x1, s1  }
0x8c: {  	s18 =	sshll.u32 s0, $0xA;
	s2 =	sadd.s32 s3, s2  }
0x8d: {  	s2 =	sadd.s32 s2, s18  }
0x8e: {  	[smem:$0x3FC4] =	sst s2  }
0x8f: {  	_ = 	snop  }
0x90: {  	s2 =	sld [smem:$0x3FC9]  }
0x91: {  	s19 =	sld [smem:$0x3FC8]  }
0x92: {  	s4 =	sld [smem:$0x3FD0];
	(tm) =	ssettm $0x1  }
0x93: {  	s5 =	sld [smem:$0x3FFB];
	_ =	sdelay $0x3  }
0x94: {  	_ =	strace s5  }
0x95: {  	s5 =	sld [smem:$0x3FFC];
	_ =	sdelay $0x3  }
0x96: {  	_ =	strace s5  }
0x97: {  	s5 =	sld [smem:$0x3FFD];
	_ =	sdelay $0x3  }
0x98: {  	_ =	strace s5  }
0x99: {  	_ =	strace $0x8FFFFFFF  }
0x9a: {  	s20 =	sld [smem:$0x3FDB];
	_ =	sdelay $0x1  }
0x9b: {  	s6 =	simm.s32 $_scs_section_size  }
0x9c: {  	s7 =	simm.s32 $_size__tile_overlayer_lowered;
	s8 =	simm.s32 $_tile_overlayer_lowered  }
0x9d: {  	s23 =	simm.s32 $0x1BFF;
	s22 =	sshll.u32 s8, $0x1;
	s5 =	sadd.s32 s6, s20  }
0x9e: {  	s9 =	simm.s32 $0x0;
	s21 =	sshll.u32 s7, $0x1;
	s7 =	sadd.s32 s22, s5  }
0x9f: {  	[timem:s9], [sflag:s23] =	dma.local [hbm:s7], s21  }
0xa0: {  	_ =	swait.ge [sflag:s23], s21  }
0xa1: {  	s6 =	ssub.s32 $0x0, s21;
	[sflag:s23] =	ssyncset.done $0x0  }
0xa2: {  	[sflag:s23] =	ssyncadd.s32 s6;
	_ =	sdelay $0x1  }
0xa3: {  	s24 =	simm.s32 $0x1B8B  }
0xa4: {  	_ =	swait.ge [sflag:s24], $0x1  }
0xa5: {  	[sflag:s24] =	ssyncset.done $0x0  }
0xa6: {  	s25 =	simm.s32 $0x1B8E;
	[sflag:s24] =	ssyncadd.s32 $0xFFFFFFFF  }
0xa7: {  	s26 =	simm.s32 $execute0_lowered;
	[smem:$0x3FD2] =	sst s25  }
0xa8: {  	s6 =	sshll.u32 s26, $0x1;
	_ =	strace $0x80000046;
	[dreg:$0x1] =	wrdreg $0xFFFFFFFF  }
0xa9: {  	s28 =	simm.s32 $_size_execute0_lowered;
	s5 =	sadd.s32 s5, s6;
	[dreg:$0x0] =	wrdreg $0x0  }
0xaa: {  	s6 =	sshll.u32 s28, $0x1;
	[dreg:$0x2] =	wrdreg s5  }
0xab: {  	[dreg:$0x3] =	wrdreg s6  }
0xac: {  	[dreg:$0x4] =	wrdreg $0xC0  }
0xad: {  	_ =	task [dreg:s9], $0x5FFFF  }
0xae: {  	[dreg:$0x1] =	wrdreg $0xFFFFFFFF  }
0xaf: {  	[dreg:$0x0] =	wrdreg $0x60  }
0xb0: {  	[dreg:$0x2] =	wrdreg s2  }
0xb1: {  	[dreg:$0x3] =	wrdreg s19  }
0xb2: {  	[dreg:$0x4] =	wrdreg s4  }
0xb3: {  	[dreg:$0x5] =	wrdreg $0x9  }
0xb4: {  	_ =	task.clear_ibuf [dreg:s9], $0x6FFFF;
	_ =	strace $0x90000046  }
0xb5: {  	s29 =	simm.s32 $0x9;
	_ =	strace $0x80000048  }
0xb6: {  	_ =	swait.ge [sflag:s29], $0x1  }
0xb7: {  	[sflag:s29] =	ssyncadd.s32 $0xFFFFFFFF  }
0xb8: {  	_ =	strace $0x90000048  }
0xb9: {  	_ =	sfence  }
0xba: {  	s30 =	sld [smem:$0x0];
	_ =	sdelay $0x2  }
0xbb: {  	s31 =	sshll.u32 s1, $0xD;
	s1 =	sshrl.u32 s1, $0x2  }
0xbc: {  	s3 =	sand.u32 $0x4000, s31;
	s1 =	sadd.s32 s1, s30  }
0xbd: {  	s0 =	sor.u32 s3, s0;
	s1 =	sshll.u32 s1, $0x11  }
0xbe: {  	s0 =	sor.u32 s1, s0  }
0xbf: {  	s0 =	sadd.s32 $0x8F2B, s0  }
0xc0: {  	[sflag:s0] =	ssyncadd.remote.s32 $0x1  }
0xc1: {  	_ =	sfence.sel $0xFFFF  }
0xc2: {  	[dreg:$0x0] =	wrdreg $0xFFFFFFFF;
	(pc) =	sbr.abs _section_cstart, $3  }
0xc3: {  	[dreg:$0x1] =	wrdreg $0xFFFFFFFF  }
0xc4: {  	_ =	task.clear_ibuf [dreg:s9], $0x2FFFF;
	_ =	strace $0x9FFFFFFF  }
0xc5: {  	(tm) =	ssettm $0x7FFFFFFF  }
tec
execute0_lowered:
.L_overlay_start_1:
0x0: {  	(tag) =	ssettag $0x1  }
0x1: {  	s1 =	rddreg [dreg:$0x0]  }
0x2: {  	s4 =	rddreg [dreg:$0x1]  }
0x3: {  	s6 =	rddreg [dreg:$0x2]  }
0x4: {  	s0 =	rddreg [dreg:$0x3];
	s3 =	simm.s32 $0x0;
	s5 =	srdreg.scid  }
0x5: {  	s2 =	stileid.u32;
	s11 =	simm.s32 $0x400;
	s12 =	simm.s32 $0x1  }
0x6: {  	s13 =	simm.s32 $0x100;
	s14 =	simm.s32 $0x1E700;
	s15 =	simm.s32 $0x0  }
0x7: {  	s5 =	sand.u32 $0x1, s5;
	s7 =	sshll.u32 s2, $0x9;
	s8 =	sshrl.u32 s2, $0x1  }
0x8: {  	[smem:$0x7FF] =	sst s3;
	s9 =	sshll.u32 s5, $0x8;
	s7 =	sand.u32 $0x200, s7  }
0x9: {  	s10 =	smul.u32 $0xC3800, s8;
	_ =	strace $0x80000047;
	s5 =	ssub.s32 $0x2, s5  }
0xa: {  	s8 =	sshll.u32 s8, $0xD;
	s7 =	sor.u32 s9, s7;
	s31 =	sshrl.u32 s5, $0x1  }
0xb: {  	s9 =	sor.u32 s10, s7;
	s7 =	sor.u32 s8, s7;
	s8 =	ssub.s32 s5, s31  }
0xc: {  	s10 =	simm.s32 $0x80;
	s9 =	sshrl.u32 s9, $0x3;
	s7 =	sshrl.u32 s7, $0x3  }
0xd: {  	s4 =	sadd.s32 s4, s9;
	s6 =	sadd.s32 s6, s7;
	s7 =	smax.u32 s8, $0x1  }
0xe: {  	s8 =	simm.s32 $0x18700;
	s9 =	simm.s32 $0x2;
	s5 =	sadd.s32 $0x10, s4  }
.LBB2_1:
0xf: {  	[tilespmem:s8], [sflag:$0x2] =	stream.linear.gather [hbm4b:s1+s3], $0x6000, $0x38;
	[tilespmem:$0x1EF00] =	vst v63  }
0x10: {  	_ =	swait.ge [sflag:s9], $0x6000  }
0x11: {  	[sflag:s9] =	ssyncset.done $0x0  }
0x12: {  	[sflag:s9] =	ssyncadd.s32 $0xFFFFA000  }
0x13: {  	[tilespmem:s3], [sflag:$0x1] =	stream.strided.gather [hbm4b:s4+s10], $0x18700, s11, s10, $0x38;
	[tilespmem:$0x1EF00] =	vst v63  }
0x14: {  	_ =	swait.ge [sflag:s12], $0x18700  }
0x15: {  	s17 =	sand.u32 $0x1C00, s3;
	s20 =	sand.u32 $0x70, s3;
	[sflag:s12] =	ssyncset.done $0x0  }
0x16: {  	s16 =	sor.u32 s20, s17;
	[sflag:s12] =	ssyncadd.s32 $0xFFFE7900  }
0x17: {  	s18 =	sadd.s32 $0x18700, s16;
	v0 =	vld [tilespmem:s16+$0x18700]  }
0x18: {  	v1 =	vld [tilespmem:s18+$0x80];
	_ =	sdelay $0x1  }
0x19: {  	v2 =	vld [tilespmem:s18+$0x100];
	_ =	sdelay $0x1  }
0x1a: {  	v3 =	vld [tilespmem:s18+$0x180]  }
0x1b: {  	v4 =	vld [tilespmem:s18+$0x280]  }
0x1c: {  	v5 =	vld [tilespmem:s18+$0x200]  }
0x1d: {  	v0 =	vld.idx.msk [tilespmem:v0+s3+$0x0], $0xffff  }
0x1e: {  	v1 =	vld.idx.msk [tilespmem:v1+s3+$0x0], $0xffff  }
0x1f: {  	v6 =	vld [tilespmem:s18+$0x300]  }
0x20: {  	v2 =	vld.idx.msk [tilespmem:v2+s3+$0x0], $0xffff  }
0x21: {  	v7 =	vld [tilespmem:s18+$0x380]  }
0x22: {  	v3 =	vld.idx.msk [tilespmem:v3+s3+$0x0], $0xffff  }
0x23: {  	v8 =	vld [tilespmem:s16+$0x1A700];
	v0 =	vadd.f32 v1, v0  }
0x24: {  	v1 =	vld.idx.msk [tilespmem:v5+s3+$0x0], $0xffff  }
0x25: {  	v53 =	vld [tilespmem:s16+$0x1A780];
	v0 =	vadd.f32 v2, v0  }
0x26: {  	v2 =	vld.idx.msk [tilespmem:v4+s3+$0x0], $0xffff  }
0x27: {  	v54 =	vld [tilespmem:s16+$0x1A800];
	v0 =	vadd.f32 v3, v0  }
0x28: {  	v3 =	vld.idx.msk [tilespmem:v6+s3+$0x0], $0xffff  }
0x29: {  	v55 =	vld [tilespmem:s16+$0x1A880];
	v0 =	vadd.f32 v1, v0  }
0x2a: {  	v1 =	vld.idx.msk [tilespmem:v7+s3+$0x0], $0xffff  }
0x2b: {  	v56 =	vld [tilespmem:s16+$0x1A900];
	v0 =	vadd.f32 v2, v0  }
0x2c: {  	v2 =	vld.idx.msk [tilespmem:v8+s3+$0x0], $0xffff  }
0x2d: {  	v57 =	vld [tilespmem:s16+$0x1A980];
	v0 =	vadd.f32 v3, v0  }
0x2e: {  	v3 =	vld.idx.msk [tilespmem:v53+s3+$0x0], $0xffff  }
0x2f: {  	v58 =	vld [tilespmem:s16+$0x1AA00];
	v0 =	vadd.f32 v1, v0  }
0x30: {  	v1 =	vld.idx.msk [tilespmem:v54+s3+$0x0], $0xffff  }
0x31: {  	v59 =	vld [tilespmem:s16+$0x1AA80];
	v0 =	vadd.f32 v2, v0  }
0x32: {  	v2 =	vld.idx.msk [tilespmem:v55+s3+$0x0], $0xffff  }
0x33: {  	v60 =	vld [tilespmem:s16+$0x1C700];
	v0 =	vadd.f32 v3, v0  }
0x34: {  	v3 =	vld.idx.msk [tilespmem:v56+s3+$0x0], $0xffff  }
0x35: {  	v61 =	vld [tilespmem:s16+$0x1C780];
	v0 =	vadd.f32 v1, v0  }
0x36: {  	v1 =	vld.idx.msk [tilespmem:v57+s3+$0x0], $0xffff  }
0x37: {  	v62 =	vld [tilespmem:s16+$0x1C800];
	v0 =	vadd.f32 v2, v0  }
0x38: {  	v2 =	vld.idx.msk [tilespmem:v58+s3+$0x0], $0xffff  }
0x39: {  	v63 =	vld [tilespmem:s16+$0x1C880];
	v0 =	vadd.f32 v3, v0  }
0x3a: {  	v3 =	vld.idx.msk [tilespmem:v59+s3+$0x0], $0xffff  }
0x3b: {  	v0 =	vadd.f32 v1, v0  }
0x3c: {  	v1 =	vld.idx.msk [tilespmem:v60+s3+$0x0], $0xffff  }
0x3d: {  	v0 =	vadd.f32 v2, v0  }
0x3e: {  	v2 =	vld.idx.msk [tilespmem:v61+s3+$0x0], $0xffff  }
0x3f: {  	v0 =	vadd.f32 v3, v0  }
0x40: {  	v3 =	vld.idx.msk [tilespmem:v62+s3+$0x0], $0xffff  }
0x41: {  	v0 =	vadd.f32 v1, v0  }
0x42: {  	v1 =	vld.idx.msk [tilespmem:v63+s3+$0x0], $0xffff  }
0x43: {  	v0 =	vadd.f32 v2, v0;
	_ =	sdelay $0x1  }
0x44: {  	v0 =	vadd.f32 v3, v0;
	_ =	sdelay $0x1  }
0x45: {  	v0 =	vadd.f32 v1, v0  }
0x46: {  	s31 =	simm.s32 $0x80  }
0x47: {  	s19 =	simm.s32 $0x100;
	s21 =	sshrl.u32 s17, $0x2;
	s18 =	simm.s32 $0x10;
	v0 =	vmul.f32 $5.000000070e-02, v0  }
0x48: {  	s21 =	sor.u32 s20, s21;
	s16 =	sand.u32 $0x1C00, s31;
	s17 =	sand.u32 $0x70, s18  }
.LBB2_2:
0x49: {  	p0 =	sne.s32 s19, $0x1F80;
	s20 =	sor.u32 s17, s16;
	[tilespmem:s21+$0x1E700] =	vst v0  }
0x4a: {  	s21 =	sadd.s32 $0x18700, s20;
	v0 =	vld [tilespmem:s20+$0x18700]  }
0x4b: {  	v1 =	vld [tilespmem:s21+$0x80];
	_ =	sdelay $0x1  }
0x4c: {  	v2 =	vld [tilespmem:s21+$0x100];
	_ =	sdelay $0x1  }
0x4d: {  	v3 =	vld [tilespmem:s21+$0x180]  }
0x4e: {  	v4 =	vld [tilespmem:s21+$0x280]  }
0x4f: {  	v5 =	vld [tilespmem:s21+$0x200]  }
0x50: {  	v0 =	vld.idx.msk [tilespmem:v0+s3+$0x0], $0xffff  }
0x51: {  	v1 =	vld.idx.msk [tilespmem:v1+s3+$0x0], $0xffff  }
0x52: {  	v6 =	vld [tilespmem:s21+$0x300]  }
0x53: {  	v2 =	vld.idx.msk [tilespmem:v2+s3+$0x0], $0xffff  }
0x54: {  	v7 =	vld [tilespmem:s21+$0x380]  }
0x55: {  	v3 =	vld.idx.msk [tilespmem:v3+s3+$0x0], $0xffff  }
0x56: {  	v8 =	vld [tilespmem:s20+$0x1A700]  }
0x57: {  	v0 =	vadd.f32 v1, v0;
	v1 =	vld.idx.msk [tilespmem:v5+s3+$0x0], $0xffff  }
0x58: {  	v5 =	vld [tilespmem:s20+$0x1A780]  }
0x59: {  	v0 =	vadd.f32 v2, v0;
	v2 =	vld.idx.msk [tilespmem:v4+s3+$0x0], $0xffff  }
0x5a: {  	v4 =	vld [tilespmem:s20+$0x1A800]  }
0x5b: {  	v0 =	vadd.f32 v3, v0;
	v3 =	vld.idx.msk [tilespmem:v6+s3+$0x0], $0xffff  }
0x5c: {  	v6 =	vld [tilespmem:s20+$0x1A880]  }
0x5d: {  	v0 =	vadd.f32 v1, v0;
	v1 =	vld.idx.msk [tilespmem:v7+s3+$0x0], $0xffff  }
0x5e: {  	v7 =	vld [tilespmem:s20+$0x1A900]  }
0x5f: {  	v0 =	vadd.f32 v2, v0;
	v2 =	vld.idx.msk [tilespmem:v8+s3+$0x0], $0xffff  }
0x60: {  	v8 =	vld [tilespmem:s20+$0x1A980]  }
0x61: {  	v0 =	vadd.f32 v3, v0;
	v3 =	vld.idx.msk [tilespmem:v5+s3+$0x0], $0xffff  }
0x62: {  	v5 =	vld [tilespmem:s20+$0x1AA00]  }
0x63: {  	v0 =	vadd.f32 v1, v0;
	v1 =	vld.idx.msk [tilespmem:v4+s3+$0x0], $0xffff  }
0x64: {  	v4 =	vld [tilespmem:s20+$0x1AA80]  }
0x65: {  	v0 =	vadd.f32 v2, v0;
	v2 =	vld.idx.msk [tilespmem:v6+s3+$0x0], $0xffff  }
0x66: {  	v6 =	vld [tilespmem:s20+$0x1C700]  }
0x67: {  	v0 =	vadd.f32 v3, v0;
	v3 =	vld.idx.msk [tilespmem:v7+s3+$0x0], $0xffff  }
0x68: {  	v7 =	vld [tilespmem:s20+$0x1C780]  }
0x69: {  	v0 =	vadd.f32 v1, v0;
	v1 =	vld.idx.msk [tilespmem:v8+s3+$0x0], $0xffff  }
0x6a: {  	v8 =	vld [tilespmem:s20+$0x1C800]  }
0x6b: {  	v0 =	vadd.f32 v2, v0;
	v2 =	vld.idx.msk [tilespmem:v5+s3+$0x0], $0xffff  }
0x6c: {  	v5 =	vld [tilespmem:s20+$0x1C880]  }
0x6d: {  	v0 =	vadd.f32 v3, v0;
	v3 =	vld.idx.msk [tilespmem:v4+s3+$0x0], $0xffff;
	_ =	sdelay $0x1  }
0x6e: {  	v0 =	vadd.f32 v1, v0;
	v1 =	vld.idx.msk [tilespmem:v6+s3+$0x0], $0xffff;
	_ =	sdelay $0x1  }
0x6f: {  	v0 =	vadd.f32 v2, v0;
	v2 =	vld.idx.msk [tilespmem:v7+s3+$0x0], $0xffff;
	_ =	sdelay $0x1  }
0x70: {  	v0 =	vadd.f32 v3, v0;
	v3 =	vld.idx.msk [tilespmem:v8+s3+$0x0], $0xffff;
	_ =	sdelay $0x1  }
0x71: {  	v0 =	vadd.f32 v1, v0;
	v1 =	vld.idx.msk [tilespmem:v5+s3+$0x0], $0xffff;
	_ =	sdelay $0x1  }
0x72: {  	v0 =	vadd.f32 v2, v0;
	_ =	sdelay $0x1  }
0x73: {  	v0 =	vadd.f32 v3, v0  }
.Ltmp0:
0x74: {  	(pc) =	sbr.rel @p0 .LBB2_2-.Ltmp0, $3  }
0x75: {  	v0 =	vadd.f32 v1, v0;
	_ =	sdelay $0x1  }
0x76: {  	s18 =	sadd.s32 $0x10, s18;
	s20 =	sshrl.u32 s16, $0x2;
	s16 =	sand.u32 $0x1C00, s19;
	v0 =	vmul.f32 $5.000000070e-02, v0  }
0x77: {  	s19 =	sadd.s32 $0x80, s19;
	s21 =	sor.u32 s17, s20;
	s17 =	sand.u32 $0x70, s18  }
0x78: {  	s18 =	sor.u32 s17, s16;
	[tilespmem:s21+$0x1E700] =	vst v0  }
0x79: {  	s19 =	sadd.s32 $0x18700, s18;
	v0 =	vld [tilespmem:s18+$0x18700]  }
0x7a: {  	v1 =	vld [tilespmem:s19+$0x80];
	_ =	sdelay $0x1  }
0x7b: {  	v2 =	vld [tilespmem:s19+$0x100];
	_ =	sdelay $0x1  }
0x7c: {  	v3 =	vld [tilespmem:s19+$0x180]  }
0x7d: {  	v4 =	vld [tilespmem:s19+$0x280]  }
0x7e: {  	v5 =	vld [tilespmem:s19+$0x200]  }
0x7f: {  	v0 =	vld.idx.msk [tilespmem:v0+s3+$0x0], $0xffff  }
0x80: {  	v1 =	vld.idx.msk [tilespmem:v1+s3+$0x0], $0xffff  }
0x81: {  	v6 =	vld [tilespmem:s19+$0x300]  }
0x82: {  	v2 =	vld.idx.msk [tilespmem:v2+s3+$0x0], $0xffff  }
0x83: {  	v7 =	vld [tilespmem:s19+$0x380]  }
0x84: {  	v3 =	vld.idx.msk [tilespmem:v3+s3+$0x0], $0xffff  }
0x85: {  	v8 =	vld [tilespmem:s18+$0x1A700];
	v0 =	vadd.f32 v1, v0  }
0x86: {  	v1 =	vld.idx.msk [tilespmem:v5+s3+$0x0], $0xffff  }
0x87: {  	v37 =	vld [tilespmem:s18+$0x1A780];
	v0 =	vadd.f32 v2, v0  }
0x88: {  	v2 =	vld.idx.msk [tilespmem:v4+s3+$0x0], $0xffff  }
0x89: {  	v38 =	vld [tilespmem:s18+$0x1A800];
	v0 =	vadd.f32 v3, v0  }
0x8a: {  	v3 =	vld.idx.msk [tilespmem:v6+s3+$0x0], $0xffff  }
0x8b: {  	v39 =	vld [tilespmem:s18+$0x1A880];
	v0 =	vadd.f32 v1, v0  }
0x8c: {  	v1 =	vld.idx.msk [tilespmem:v7+s3+$0x0], $0xffff  }
0x8d: {  	v40 =	vld [tilespmem:s18+$0x1A900];
	v0 =	vadd.f32 v2, v0  }
0x8e: {  	v2 =	vld.idx.msk [tilespmem:v8+s3+$0x0], $0xffff  }
0x8f: {  	v41 =	vld [tilespmem:s18+$0x1A980];
	v0 =	vadd.f32 v3, v0  }
0x90: {  	v3 =	vld.idx.msk [tilespmem:v37+s3+$0x0], $0xffff  }
0x91: {  	v42 =	vld [tilespmem:s18+$0x1AA00];
	v0 =	vadd.f32 v1, v0  }
0x92: {  	v1 =	vld.idx.msk [tilespmem:v38+s3+$0x0], $0xffff  }
0x93: {  	v43 =	vld [tilespmem:s18+$0x1AA80];
	v0 =	vadd.f32 v2, v0  }
0x94: {  	v2 =	vld.idx.msk [tilespmem:v39+s3+$0x0], $0xffff  }
0x95: {  	v44 =	vld [tilespmem:s18+$0x1C700];
	v0 =	vadd.f32 v3, v0  }
0x96: {  	v3 =	vld.idx.msk [tilespmem:v40+s3+$0x0], $0xffff  }
0x97: {  	v45 =	vld [tilespmem:s18+$0x1C780];
	v0 =	vadd.f32 v1, v0  }
0x98: {  	v1 =	vld.idx.msk [tilespmem:v41+s3+$0x0], $0xffff  }
0x99: {  	v46 =	vld [tilespmem:s18+$0x1C800];
	v0 =	vadd.f32 v2, v0  }
0x9a: {  	v2 =	vld.idx.msk [tilespmem:v42+s3+$0x0], $0xffff  }
0x9b: {  	v47 =	vld [tilespmem:s18+$0x1C880];
	v0 =	vadd.f32 v3, v0  }
0x9c: {  	v3 =	vld.idx.msk [tilespmem:v43+s3+$0x0], $0xffff  }
0x9d: {  	v0 =	vadd.f32 v1, v0  }
0x9e: {  	v1 =	vld.idx.msk [tilespmem:v44+s3+$0x0], $0xffff  }
0x9f: {  	v0 =	vadd.f32 v2, v0  }
0xa0: {  	v2 =	vld.idx.msk [tilespmem:v45+s3+$0x0], $0xffff  }
0xa1: {  	v0 =	vadd.f32 v3, v0  }
0xa2: {  	v3 =	vld.idx.msk [tilespmem:v46+s3+$0x0], $0xffff  }
0xa3: {  	v0 =	vadd.f32 v1, v0  }
0xa4: {  	v1 =	vld.idx.msk [tilespmem:v47+s3+$0x0], $0xffff  }
0xa5: {  	v0 =	vadd.f32 v2, v0;
	_ =	sdelay $0x1  }
0xa6: {  	v0 =	vadd.f32 v3, v0;
	_ =	sdelay $0x1  }
0xa7: {  	v0 =	vadd.f32 v1, v0;
	_ =	sdelay $0x1  }
0xa8: {  	s25 =	sshrl.u32 s16, $0x2;
	v0 =	vmul.f32 $5.000000070e-02, v0  }
0xa9: {  	s16 =	sor.u32 s17, s25  }
0xaa: {  	s26 =	simm.s32 $0x0;
	[tilespmem:s16+$0x1E700] =	vst v0  }
0xab: {  	[tilespmem:s26], [sflag:$0x1] =	stream.strided.gather [hbm4b:s5+s10], $0x18700, s11, s10, $0x38;
	[tilespmem:$0x1EF00] =	vst v63  }
0xac: {  	_ =	swait.ge [sflag:s12], $0x18700  }
0xad: {  	s28 =	sand.u32 $0x1C00, s26;
	s20 =	sand.u32 $0x70, s26;
	[sflag:s12] =	ssyncset.done $0x0  }
0xae: {  	s16 =	sor.u32 s20, s28;
	[sflag:s12] =	ssyncadd.s32 $0xFFFE7900  }
0xaf: {  	s29 =	sadd.s32 $0x18700, s16;
	v0 =	vld [tilespmem:s16+$0x18700]  }
0xb0: {  	v1 =	vld [tilespmem:s29+$0x80];
	_ =	sdelay $0x1  }
0xb1: {  	v2 =	vld [tilespmem:s29+$0x100];
	_ =	sdelay $0x1  }
0xb2: {  	v3 =	vld [tilespmem:s29+$0x180]  }
0xb3: {  	v48 =	vld [tilespmem:s29+$0x280]  }
0xb4: {  	v49 =	vld [tilespmem:s29+$0x200]  }
0xb5: {  	v0 =	vld.idx.msk [tilespmem:v0+s3+$0x0], $0xffff  }
0xb6: {  	v1 =	vld.idx.msk [tilespmem:v1+s3+$0x0], $0xffff  }
0xb7: {  	v50 =	vld [tilespmem:s29+$0x300]  }
0xb8: {  	v2 =	vld.idx.msk [tilespmem:v2+s3+$0x0], $0xffff  }
0xb9: {  	v51 =	vld [tilespmem:s29+$0x380]  }
0xba: {  	v3 =	vld.idx.msk [tilespmem:v3+s3+$0x0], $0xffff  }
0xbb: {  	v52 =	vld [tilespmem:s16+$0x1A700];
	v0 =	vadd.f32 v1, v0  }
0xbc: {  	v1 =	vld.idx.msk [tilespmem:v49+s3+$0x0], $0xffff  }
0xbd: {  	v53 =	vld [tilespmem:s16+$0x1A780];
	v0 =	vadd.f32 v2, v0  }
0xbe: {  	v2 =	vld.idx.msk [tilespmem:v48+s3+$0x0], $0xffff  }
0xbf: {  	v54 =	vld [tilespmem:s16+$0x1A800];
	v0 =	vadd.f32 v3, v0  }
0xc0: {  	v3 =	vld.idx.msk [tilespmem:v50+s3+$0x0], $0xffff  }
0xc1: {  	v55 =	vld [tilespmem:s16+$0x1A880];
	v0 =	vadd.f32 v1, v0  }
0xc2: {  	v1 =	vld.idx.msk [tilespmem:v51+s3+$0x0], $0xffff  }
0xc3: {  	v56 =	vld [tilespmem:s16+$0x1A900];
	v0 =	vadd.f32 v2, v0  }
0xc4: {  	v2 =	vld.idx.msk [tilespmem:v52+s3+$0x0], $0xffff  }
0xc5: {  	v57 =	vld [tilespmem:s16+$0x1A980];
	v0 =	vadd.f32 v3, v0  }
0xc6: {  	v3 =	vld.idx.msk [tilespmem:v53+s3+$0x0], $0xffff  }
0xc7: {  	v58 =	vld [tilespmem:s16+$0x1AA00];
	v0 =	vadd.f32 v1, v0  }
0xc8: {  	v1 =	vld.idx.msk [tilespmem:v54+s3+$0x0], $0xffff  }
0xc9: {  	v59 =	vld [tilespmem:s16+$0x1AA80];
	v0 =	vadd.f32 v2, v0  }
0xca: {  	v2 =	vld.idx.msk [tilespmem:v55+s3+$0x0], $0xffff  }
0xcb: {  	v60 =	vld [tilespmem:s16+$0x1C700];
	v0 =	vadd.f32 v3, v0  }
0xcc: {  	v3 =	vld.idx.msk [tilespmem:v56+s3+$0x0], $0xffff  }
0xcd: {  	v61 =	vld [tilespmem:s16+$0x1C780];
	v0 =	vadd.f32 v1, v0  }
0xce: {  	v1 =	vld.idx.msk [tilespmem:v57+s3+$0x0], $0xffff  }
0xcf: {  	v62 =	vld [tilespmem:s16+$0x1C800];
	v0 =	vadd.f32 v2, v0  }
0xd0: {  	v2 =	vld.idx.msk [tilespmem:v58+s3+$0x0], $0xffff  }
0xd1: {  	v63 =	vld [tilespmem:s16+$0x1C880];
	v0 =	vadd.f32 v3, v0  }
0xd2: {  	v3 =	vld.idx.msk [tilespmem:v59+s3+$0x0], $0xffff  }
0xd3: {  	v0 =	vadd.f32 v1, v0  }
0xd4: {  	v1 =	vld.idx.msk [tilespmem:v60+s3+$0x0], $0xffff  }
0xd5: {  	v0 =	vadd.f32 v2, v0  }
0xd6: {  	v2 =	vld.idx.msk [tilespmem:v61+s3+$0x0], $0xffff  }
0xd7: {  	v0 =	vadd.f32 v3, v0  }
0xd8: {  	v3 =	vld.idx.msk [tilespmem:v62+s3+$0x0], $0xffff  }
0xd9: {  	v0 =	vadd.f32 v1, v0  }
0xda: {  	v1 =	vld.idx.msk [tilespmem:v63+s3+$0x0], $0xffff  }
0xdb: {  	v0 =	vadd.f32 v2, v0;
	_ =	sdelay $0x1  }
0xdc: {  	v0 =	vadd.f32 v3, v0;
	_ =	sdelay $0x1  }
0xdd: {  	v0 =	vadd.f32 v1, v0  }
0xde: {  	s18 =	simm.s32 $0x10  }
0xdf: {  	s30 =	simm.s32 $0x80;
	s31 =	sshrl.u32 s28, $0x2;
	s17 =	sand.u32 $0x70, s18;
	v0 =	vmul.f32 $5.000000070e-02, v0  }
0xe0: {  	s19 =	simm.s32 $0x100;
	s21 =	sor.u32 s20, s31;
	s16 =	sand.u32 $0x1C00, s30  }
.LBB2_4:
0xe1: {  	p0 =	sne.s32 s19, $0x1F80;
	s20 =	sor.u32 s17, s16;
	[tilespmem:s21+$0x1E780] =	vst v0  }
0xe2: {  	s21 =	sadd.s32 $0x18700, s20;
	v0 =	vld [tilespmem:s20+$0x18700]  }
0xe3: {  	v1 =	vld [tilespmem:s21+$0x80];
	_ =	sdelay $0x1  }
0xe4: {  	v2 =	vld [tilespmem:s21+$0x100];
	_ =	sdelay $0x1  }
0xe5: {  	v3 =	vld [tilespmem:s21+$0x180]  }
0xe6: {  	v4 =	vld [tilespmem:s21+$0x280]  }
0xe7: {  	v5 =	vld [tilespmem:s21+$0x200]  }
0xe8: {  	v0 =	vld.idx.msk [tilespmem:v0+s3+$0x0], $0xffff  }
0xe9: {  	v1 =	vld.idx.msk [tilespmem:v1+s3+$0x0], $0xffff  }
0xea: {  	v6 =	vld [tilespmem:s21+$0x300]  }
0xeb: {  	v2 =	vld.idx.msk [tilespmem:v2+s3+$0x0], $0xffff  }
0xec: {  	v7 =	vld [tilespmem:s21+$0x380]  }
0xed: {  	v3 =	vld.idx.msk [tilespmem:v3+s3+$0x0], $0xffff  }
0xee: {  	v8 =	vld [tilespmem:s20+$0x1A700]  }
0xef: {  	v0 =	vadd.f32 v1, v0;
	v1 =	vld.idx.msk [tilespmem:v5+s3+$0x0], $0xffff  }
0xf0: {  	v5 =	vld [tilespmem:s20+$0x1A780]  }
0xf1: {  	v0 =	vadd.f32 v2, v0;
	v2 =	vld.idx.msk [tilespmem:v4+s3+$0x0], $0xffff  }
0xf2: {  	v4 =	vld [tilespmem:s20+$0x1A800]  }
0xf3: {  	v0 =	vadd.f32 v3, v0;
	v3 =	vld.idx.msk [tilespmem:v6+s3+$0x0], $0xffff  }
0xf4: {  	v6 =	vld [tilespmem:s20+$0x1A880]  }
0xf5: {  	v0 =	vadd.f32 v1, v0;
	v1 =	vld.idx.msk [tilespmem:v7+s3+$0x0], $0xffff  }
0xf6: {  	v7 =	vld [tilespmem:s20+$0x1A900]  }
0xf7: {  	v0 =	vadd.f32 v2, v0;
	v2 =	vld.idx.msk [tilespmem:v8+s3+$0x0], $0xffff  }
0xf8: {  	v8 =	vld [tilespmem:s20+$0x1A980]  }
0xf9: {  	v0 =	vadd.f32 v3, v0;
	v3 =	vld.idx.msk [tilespmem:v5+s3+$0x0], $0xffff  }
0xfa: {  	v5 =	vld [tilespmem:s20+$0x1AA00]  }
0xfb: {  	v0 =	vadd.f32 v1, v0;
	v1 =	vld.idx.msk [tilespmem:v4+s3+$0x0], $0xffff  }
0xfc: {  	v4 =	vld [tilespmem:s20+$0x1AA80]  }
0xfd: {  	v0 =	vadd.f32 v2, v0;
	v2 =	vld.idx.msk [tilespmem:v6+s3+$0x0], $0xffff  }
0xfe: {  	v6 =	vld [tilespmem:s20+$0x1C700]  }
0xff: {  	v0 =	vadd.f32 v3, v0;
	v3 =	vld.idx.msk [tilespmem:v7+s3+$0x0], $0xffff  }
0x100: {  	v7 =	vld [tilespmem:s20+$0x1C780]  }
0x101: {  	v0 =	vadd.f32 v1, v0;
	v1 =	vld.idx.msk [tilespmem:v8+s3+$0x0], $0xffff  }
0x102: {  	v8 =	vld [tilespmem:s20+$0x1C800]  }
0x103: {  	v0 =	vadd.f32 v2, v0;
	v2 =	vld.idx.msk [tilespmem:v5+s3+$0x0], $0xffff  }
0x104: {  	v5 =	vld [tilespmem:s20+$0x1C880]  }
0x105: {  	v0 =	vadd.f32 v3, v0;
	v3 =	vld.idx.msk [tilespmem:v4+s3+$0x0], $0xffff;
	_ =	sdelay $0x1  }
0x106: {  	v0 =	vadd.f32 v1, v0;
	v1 =	vld.idx.msk [tilespmem:v6+s3+$0x0], $0xffff;
	_ =	sdelay $0x1  }
0x107: {  	v0 =	vadd.f32 v2, v0;
	v2 =	vld.idx.msk [tilespmem:v7+s3+$0x0], $0xffff;
	_ =	sdelay $0x1  }
0x108: {  	v0 =	vadd.f32 v3, v0;
	v3 =	vld.idx.msk [tilespmem:v8+s3+$0x0], $0xffff;
	_ =	sdelay $0x1  }
0x109: {  	v0 =	vadd.f32 v1, v0;
	v1 =	vld.idx.msk [tilespmem:v5+s3+$0x0], $0xffff;
	_ =	sdelay $0x1  }
0x10a: {  	v0 =	vadd.f32 v2, v0;
	_ =	sdelay $0x1  }
0x10b: {  	v0 =	vadd.f32 v3, v0  }
.Ltmp1:
0x10c: {  	(pc) =	sbr.rel @p0 .LBB2_4-.Ltmp1, $3  }
0x10d: {  	v0 =	vadd.f32 v1, v0;
	_ =	sdelay $0x1  }
0x10e: {  	s18 =	sadd.s32 $0x10, s18;
	s20 =	sshrl.u32 s16, $0x2;
	s16 =	sand.u32 $0x1C00, s19;
	v0 =	vmul.f32 $5.000000070e-02, v0  }
0x10f: {  	s19 =	sadd.s32 $0x80, s19;
	s21 =	sor.u32 s17, s20;
	s17 =	sand.u32 $0x70, s18  }
0x110: {  	s18 =	sor.u32 s17, s16;
	[tilespmem:s21+$0x1E780] =	vst v0  }
0x111: {  	s19 =	sadd.s32 $0x18700, s18;
	v0 =	vld [tilespmem:s18+$0x18700]  }
0x112: {  	v1 =	vld [tilespmem:s19+$0x80];
	_ =	sdelay $0x1  }
0x113: {  	v2 =	vld [tilespmem:s19+$0x100];
	_ =	sdelay $0x1  }
0x114: {  	v3 =	vld [tilespmem:s19+$0x180]  }
0x115: {  	v4 =	vld [tilespmem:s19+$0x280]  }
0x116: {  	v5 =	vld [tilespmem:s19+$0x200]  }
0x117: {  	v0 =	vld.idx.msk [tilespmem:v0+s3+$0x0], $0xffff  }
0x118: {  	v1 =	vld.idx.msk [tilespmem:v1+s3+$0x0], $0xffff  }
0x119: {  	v6 =	vld [tilespmem:s19+$0x300]  }
0x11a: {  	v2 =	vld.idx.msk [tilespmem:v2+s3+$0x0], $0xffff  }
0x11b: {  	v7 =	vld [tilespmem:s19+$0x380]  }
0x11c: {  	v3 =	vld.idx.msk [tilespmem:v3+s3+$0x0], $0xffff  }
0x11d: {  	v8 =	vld [tilespmem:s18+$0x1A700];
	v0 =	vadd.f32 v1, v0  }
0x11e: {  	v37 =	vld.idx.msk [tilespmem:v5+s3+$0x0], $0xffff  }
0x11f: {  	v38 =	vld [tilespmem:s18+$0x1A780];
	v0 =	vadd.f32 v2, v0  }
0x120: {  	v39 =	vld.idx.msk [tilespmem:v4+s3+$0x0], $0xffff  }
0x121: {  	v40 =	vld [tilespmem:s18+$0x1A800];
	v0 =	vadd.f32 v3, v0  }
0x122: {  	v41 =	vld.idx.msk [tilespmem:v6+s3+$0x0], $0xffff  }
0x123: {  	v42 =	vld [tilespmem:s18+$0x1A880];
	v0 =	vadd.f32 v37, v0  }
0x124: {  	v43 =	vld.idx.msk [tilespmem:v7+s3+$0x0], $0xffff  }
0x125: {  	v44 =	vld [tilespmem:s18+$0x1A900];
	v0 =	vadd.f32 v39, v0  }
0x126: {  	v45 =	vld.idx.msk [tilespmem:v8+s3+$0x0], $0xffff  }
0x127: {  	v46 =	vld [tilespmem:s18+$0x1A980];
	v0 =	vadd.f32 v41, v0  }
0x128: {  	v47 =	vld.idx.msk [tilespmem:v38+s3+$0x0], $0xffff  }
0x129: {  	v48 =	vld [tilespmem:s18+$0x1AA00];
	v0 =	vadd.f32 v43, v0  }
0x12a: {  	v49 =	vld.idx.msk [tilespmem:v40+s3+$0x0], $0xffff  }
0x12b: {  	v50 =	vld [tilespmem:s18+$0x1AA80];
	v0 =	vadd.f32 v45, v0  }
0x12c: {  	v51 =	vld.idx.msk [tilespmem:v42+s3+$0x0], $0xffff  }
0x12d: {  	v52 =	vld [tilespmem:s18+$0x1C700];
	v0 =	vadd.f32 v47, v0  }
0x12e: {  	v53 =	vld.idx.msk [tilespmem:v44+s3+$0x0], $0xffff  }
0x12f: {  	v54 =	vld [tilespmem:s18+$0x1C780];
	v0 =	vadd.f32 v49, v0  }
0x130: {  	v55 =	vld.idx.msk [tilespmem:v46+s3+$0x0], $0xffff  }
0x131: {  	v56 =	vld [tilespmem:s18+$0x1C800];
	v0 =	vadd.f32 v51, v0  }
0x132: {  	v57 =	vld.idx.msk [tilespmem:v48+s3+$0x0], $0xffff  }
0x133: {  	v58 =	vld [tilespmem:s18+$0x1C880];
	v0 =	vadd.f32 v53, v0  }
0x134: {  	v59 =	vld.idx.msk [tilespmem:v50+s3+$0x0], $0xffff  }
0x135: {  	v0 =	vadd.f32 v55, v0  }
0x136: {  	v60 =	vld.idx.msk [tilespmem:v52+s3+$0x0], $0xffff  }
0x137: {  	v0 =	vadd.f32 v57, v0  }
0x138: {  	v61 =	vld.idx.msk [tilespmem:v54+s3+$0x0], $0xffff  }
0x139: {  	v0 =	vadd.f32 v59, v0  }
0x13a: {  	v62 =	vld.idx.msk [tilespmem:v56+s3+$0x0], $0xffff  }
0x13b: {  	v0 =	vadd.f32 v60, v0  }
0x13c: {  	v63 =	vld.idx.msk [tilespmem:v58+s3+$0x0], $0xffff  }
0x13d: {  	v0 =	vadd.f32 v61, v0;
	_ =	sdelay $0x1  }
0x13e: {  	v0 =	vadd.f32 v62, v0;
	_ =	sdelay $0x1  }
0x13f: {  	v0 =	vadd.f32 v63, v0;
	_ =	sdelay $0x1  }
0x140: {  	s31 =	sshrl.u32 s16, $0x2;
	s15 =	sadd.s32 $0x1, s15;
	v0 =	vmul.f32 $5.000000070e-02, v0  }
0x141: {  	s16 =	sor.u32 s17, s31;
	p0 =	sne.s32 s15, s7  }
.Ltmp2:
0x142: {  	[tilespmem:s16+$0x1E780] =	vst v0;
	(pc) =	sbr.rel @p0 .LBB2_1-.Ltmp2, $4  }
0x143: {  	[hbm4b:s6+s13] =	stream.strided.scatter [tilespmem:s14], [sflag:$0x2], $0x800, s11, s13, $0x38;
	[tilespmem:$0x1EF00] =	vst v63  }
0x144: {  	_ =	swait.ge [sflag:s9], $0x800  }
0x145: {  	[sflag:s9] =	ssyncset.done $0x0  }
0x146: {  	[sflag:s9] =	ssyncadd.s32 $0xFFFFF800  }
0x147: {  	_ =	sfence.sel $0x180000  }
0x148: {  	[bflag:$0x0] =	sbarrier.arrive $0xFFFF  }
0x149: {  	p0 =	sne.s32 s2, $0x0;
	_ =	strace $0x90000047  }
0x14a: {  	s0 =	sadd.s32 @!p0 $0x100000, s0;
	[bflag:$0x2] =	sbarrier.arrive $0xFFFF  }
0x14b: {  	[sflag:s0] =	ssyncadd.tile.s32 @!p0 $0x1;
	_ =	shalt  }
.Lfunc_end2:
_tile_overlayer_lowered:
.L_overlay_start_2:
0x14c: {  	(tag) =	ssettag $0x2  }
0x14d: {  	s0 =	rddreg [dreg:$0x0];
	s2 =	stileid.u32  }
0x14e: {  	s1 =	rddreg [dreg:$0x1];
	p0 =	sne.s32 s2, $0x0  }
0x14f: {  	s3 =	rddreg [dreg:$0x2];
	[bflag:$0x3] =	sbarrier.arrive $0xFFFF;
	s2 =	simm.s32 @!p0 $0x1C02  }
0x150: {  	[timem:s3], [sflag:s2] =	dma.local @!p0 [hbm:s0], s1  }
0x151: {  	s0 =	simm.s32 @!p0 $0x2  }
0x152: {  	_ =	swait.ge @!p0 [sflag:s0], s1  }
0x153: {  	s1 =	ssub.s32 @!p0 $0x0, s1;
	[sflag:s0] =	ssyncset.done @!p0 $0x0  }
0x154: {  	[sflag:s0] =	ssyncadd.s32 @!p0 s1  }
0x155: {  	[bflag:$0x3] =	sbarrier.arrive $0xFFFF  }
0x156: {  	_ =	shalt  }

</sc_bundles>
